<compile_context>
chip_gen: v7x
topology: tpu7x:2x2x1
jax: 0.10.2.dev20260603
libtpu: 0.0.44.dev20260713+nightly
codegen_flags: <defaults>
</compile_context>

<pallas_src>
import jax
import jax.numpy as jnp
from jax import lax
from jax.experimental import pallas as pl
from jax.experimental.pallas import tpu as pltpu
from jax.experimental.pallas import tpu_sc as plsc

_B, _C, _H, _W = 128, 3, 224, 224
_PX = _H * _W
_Q = 56
_NBUF = 2

_info = plsc.get_sparse_core_info()
_NC, _NS = _info.num_cores, _info.num_subcores
_NW = _NC * _NS
_PPW = _PX // _NW
_TOT = _PPW // _Q
_GROUPS = _TOT // _NBUF


def _sc_body(x_hbm, w_hbm, o_hbm, wv, ibuf, obuf, isem, osem):
    wid = lax.axis_index("s") * _NC + lax.axis_index("c")
    base_px = wid * _PPW
    pltpu.sync_copy(w_hbm, wv)
    msels = [wv[pl.ds(l * 16, 16)] > 0.5 for l in range(8)]

    for b in range(_NBUF):
        p0 = base_px + b * _Q
        pltpu.make_async_copy(
            x_hbm.at[:, pl.ds(p0, _Q), :], ibuf.at[b], isem.at[b]).start()

    def group(g, carry):
        for b in range(_NBUF):
            c = g * _NBUF + b
            p0 = base_px + c * _Q
            pltpu.make_async_copy(
                x_hbm.at[:, pl.ds(p0, _Q), :], ibuf.at[b], isem.at[b]).wait()

            @pl.when(c >= _NBUF)
            def _(b=b, c=c):
                pp0 = base_px + (c - _NBUF) * _Q
                pltpu.make_async_copy(
                    obuf.at[b], o_hbm.at[:, pl.ds(pp0, _Q), :],
                    osem.at[b]).wait()

            def px(p, pcarry, b=b):
                for l in range(8):
                    l0 = l * 16
                    r = ibuf[b, 0, p, pl.ds(l0, 16)]
                    g_ = ibuf[b, 1, p, pl.ds(l0, 16)]
                    b_ = ibuf[b, 2, p, pl.ds(l0, 16)]
                    lum = (r * (299.0 / 1000.0) + g_ * (587.0 / 1000.0)
                           + b_ * (114.0 / 1000.0))
                    obuf[b, 0, p, pl.ds(l0, 16)] = jnp.where(msels[l], lum, r)
                    obuf[b, 1, p, pl.ds(l0, 16)] = jnp.where(msels[l], lum, g_)
                    obuf[b, 2, p, pl.ds(l0, 16)] = jnp.where(msels[l], lum, b_)
                return pcarry

            lax.fori_loop(0, _Q, px, 0)

            pltpu.make_async_copy(
                obuf.at[b], o_hbm.at[:, pl.ds(p0, _Q), :], osem.at[b]).start()

            @pl.when(c + _NBUF < _TOT)
            def _(b=b, c=c):
                np0 = base_px + (c + _NBUF) * _Q
                pltpu.make_async_copy(
                    x_hbm.at[:, pl.ds(np0, _Q), :], ibuf.at[b],
                    isem.at[b]).start()

        return carry

    lax.fori_loop(0, _GROUPS, group, 0)

    for b in range(_NBUF):
        p0 = base_px + (_TOT - _NBUF + b) * _Q
        pltpu.make_async_copy(
            obuf.at[b], o_hbm.at[:, pl.ds(p0, _Q), :], osem.at[b]).wait()


@jax.jit
def _sc_gray(xt, w):
    mesh = plsc.VectorSubcoreMesh(core_axis_name="c", subcore_axis_name="s")
    return pl.kernel(
        _sc_body,
        out_type=jax.ShapeDtypeStruct((_C, _PX, _B), jnp.float32),
        mesh=mesh,
        scratch_types=[
            pltpu.VMEM((_B,), jnp.float32),
            pltpu.VMEM((_NBUF, _C, _Q, _B), jnp.float32),
            pltpu.VMEM((_NBUF, _C, _Q, _B), jnp.float32),
            pltpu.SemaphoreType.DMA((_NBUF,)),
            pltpu.SemaphoreType.DMA((_NBUF,)),
        ],
    )(xt, w)


def kernel(x, inds):
    xt = jnp.transpose(x, (1, 2, 3, 0)).reshape(_C, _PX, _B)
    out_t = _sc_gray(xt, inds.astype(jnp.float32))
    return jnp.transpose(out_t.reshape(_C, _H, _W, _B), (3, 0, 1, 2))

# --- scband reference (transcript-rebuilt; emitter-appended) ---
"""Pipeline reference for scband-random-color-gray-layer-76020921139716 (READ-ONLY COPY).

The authoritative reference and input builder live on the scoring server;
editing this copy changes nothing except your own understanding.
"""

import jax, jax.numpy as jnp
import numpy as np

P = 0.5
BATCH, C, H, W = 128, 3, 224, 224

def setup_inputs(seed: int = 0) -> dict:
    key = jax.random.key(seed)
    k1, k2 = jax.random.split(key)
    x = jax.random.normal(k1, (BATCH, C, H, W), dtype=jnp.float32)
    # Deterministic stand-in for np.random.choice([True, False], B, p=[p, 1-p])
    inds = jax.random.bernoulli(k2, P, (BATCH,))
    return {"x": x, "inds": inds}

def reference(x, inds):
    # Faithful translation: selected images are replaced with 3-channel
    # luminance (ITU-R 601 weights 0.299/0.587/0.114); others pass through.
    R = x[:, 0, :, :]
    G = x[:, 1, :, :]
    B = x[:, 2, :, :]
    L = R * (299.0 / 1000.0) + G * (587.0 / 1000.0) + B * (114.0 / 1000.0)
    gray = jnp.stack([L, L, L], axis=1)
    mask = inds[:, None, None, None]
    out = jnp.where(mask, gray, x)
    return out

if __name__ == "__main__":
    import jax
    _d = setup_inputs()
    print(jax.jit(kernel)(*tuple(_d.values())))

</pallas_src>

<mosaic_0001>
#map = affine_map<(d0, d1) -> (0, 0, 0)>
#map1 = affine_map<(d0, d1) -> (0)>
module attributes {stable_mosaic.version = 14 : i64} {
  func.func @_sc_body(%arg0: i32, %arg1: i32, %arg2: memref<3x50176x128xf32, #tpu.memory_space<hbm>>, %arg3: memref<128xf32, #tpu.memory_space<hbm>>, %arg4: memref<3x50176x128xf32, #tpu.memory_space<hbm>>, %arg5: memref<128xf32, #tpu.memory_space<vmem>>, %arg6: memref<2x3x56x128xf32, #tpu.memory_space<vmem>>, %arg7: memref<2x3x56x128xf32, #tpu.memory_space<vmem>>, %arg8: memref<2x!tpu.dma_semaphore, #tpu.memory_space<semaphore_mem>>, %arg9: memref<2x!tpu.dma_semaphore, #tpu.memory_space<semaphore_mem>>) attributes {dimension_semantics = [#tpu.dimension_semantics<core_parallel>, #tpu.dimension_semantics<subcore_parallel>], iteration_bounds = array<i64: 2, 16>, scalar_prefetch = 0 : i64, scratch_operands = 5 : i64, tpu.core_type = #tpu.core_type<sc_vector_subcore>, window_params = [{transform_indices = #map}, {transform_indices = #map1}, {transform_indices = #map}]} {
    %mul3A = arith.constant 2 : i32
    %mul3A_0 = arith.muli %arg1, %mul3A : i32
    %add3A = arith.addi %mul3A_0, %arg0 : i32
    %mul3A_1 = arith.constant 1568 : i32
    %mul3A_2 = arith.muli %add3A, %mul3A_1 : i32
    "tpu.region"() ({
      %run_scoped3A = tpu.sem_alloc : memref<!tpu.dma_semaphore, #tpu.memory_space<semaphore_mem>>
      tpu.enqueue_dma source(%arg3 : memref<128xf32, #tpu.memory_space<hbm>>) target(%arg5 : memref<128xf32, #tpu.memory_space<vmem>>) target_semaphore(%run_scoped3A : memref<!tpu.dma_semaphore, #tpu.memory_space<semaphore_mem>>)
      tpu.wait_dma2 semaphore(%run_scoped3A : memref<!tpu.dma_semaphore, #tpu.memory_space<semaphore_mem>>) src(%arg3 : memref<128xf32, #tpu.memory_space<hbm>>) dst(%arg5 : memref<128xf32, #tpu.memory_space<vmem>>)
      tpu.yield
    }) : () -> ()
    %get3A = arith.constant 0 : index
    %get3A_3 = tpu.vector_load %arg5[%get3A] {strides = array<i32>} : memref<128xf32, #tpu.memory_space<vmem>>, vector<16xf32>,
    %get3A_4 = vector.shape_cast %get3A_3 : vector<16xf32> to vector<16xf32>
    %gt3A = arith.constant 5.000000e-01 : f32
    %gt3A_5 = vector.broadcast %gt3A : f32 to vector<16xf32>
    %gt3A_6 = arith.cmpf ogt, %get3A_4, %gt3A_5 : vector<16xf32>
    %get3A_7 = arith.constant 16 : index
    %get3A_8 = tpu.vector_load %arg5[%get3A_7] {strides = array<i32>} : memref<128xf32, #tpu.memory_space<vmem>>, vector<16xf32>,
    %get3A_9 = vector.shape_cast %get3A_8 : vector<16xf32> to vector<16xf32>
    %gt3A_10 = arith.constant 5.000000e-01 : f32
    %gt3A_11 = vector.broadcast %gt3A_10 : f32 to vector<16xf32>
    %gt3A_12 = arith.cmpf ogt, %get3A_9, %gt3A_11 : vector<16xf32>
    %get3A_13 = arith.constant 32 : index
    %get3A_14 = tpu.vector_load %arg5[%get3A_13] {strides = array<i32>} : memref<128xf32, #tpu.memory_space<vmem>>, vector<16xf32>,
    %get3A_15 = vector.shape_cast %get3A_14 : vector<16xf32> to vector<16xf32>
    %gt3A_16 = arith.constant 5.000000e-01 : f32
    %gt3A_17 = vector.broadcast %gt3A_16 : f32 to vector<16xf32>
    %gt3A_18 = arith.cmpf ogt, %get3A_15, %gt3A_17 : vector<16xf32>
    %get3A_19 = arith.constant 48 : index
    %get3A_20 = tpu.vector_load %arg5[%get3A_19] {strides = array<i32>} : memref<128xf32, #tpu.memory_space<vmem>>, vector<16xf32>,
    %get3A_21 = vector.shape_cast %get3A_20 : vector<16xf32> to vector<16xf32>
    %gt3A_22 = arith.constant 5.000000e-01 : f32
    %gt3A_23 = vector.broadcast %gt3A_22 : f32 to vector<16xf32>
    %gt3A_24 = arith.cmpf ogt, %get3A_21, %gt3A_23 : vector<16xf32>
    %get3A_25 = arith.constant 64 : index
    %get3A_26 = tpu.vector_load %arg5[%get3A_25] {strides = array<i32>} : memref<128xf32, #tpu.memory_space<vmem>>, vector<16xf32>,
    %get3A_27 = vector.shape_cast %get3A_26 : vector<16xf32> to vector<16xf32>
    %gt3A_28 = arith.constant 5.000000e-01 : f32
    %gt3A_29 = vector.broadcast %gt3A_28 : f32 to vector<16xf32>
    %gt3A_30 = arith.cmpf ogt, %get3A_27, %gt3A_29 : vector<16xf32>
    %get3A_31 = arith.constant 80 : index
    %get3A_32 = tpu.vector_load %arg5[%get3A_31] {strides = array<i32>} : memref<128xf32, #tpu.memory_space<vmem>>, vector<16xf32>,
    %get3A_33 = vector.shape_cast %get3A_32 : vector<16xf32> to vector<16xf32>
    %gt3A_34 = arith.constant 5.000000e-01 : f32
    %gt3A_35 = vector.broadcast %gt3A_34 : f32 to vector<16xf32>
    %gt3A_36 = arith.cmpf ogt, %get3A_33, %gt3A_35 : vector<16xf32>
    %get3A_37 = arith.constant 96 : index
    %get3A_38 = tpu.vector_load %arg5[%get3A_37] {strides = array<i32>} : memref<128xf32, #tpu.memory_space<vmem>>, vector<16xf32>,
    %get3A_39 = vector.shape_cast %get3A_38 : vector<16xf32> to vector<16xf32>
    %gt3A_40 = arith.constant 5.000000e-01 : f32
    %gt3A_41 = vector.broadcast %gt3A_40 : f32 to vector<16xf32>
    %gt3A_42 = arith.cmpf ogt, %get3A_39, %gt3A_41 : vector<16xf32>
    %get3A_43 = arith.constant 112 : index
    %get3A_44 = tpu.vector_load %arg5[%get3A_43] {strides = array<i32>} : memref<128xf32, #tpu.memory_space<vmem>>, vector<16xf32>,
    %get3A_45 = vector.shape_cast %get3A_44 : vector<16xf32> to vector<16xf32>
    %gt3A_46 = arith.constant 5.000000e-01 : f32
    %gt3A_47 = vector.broadcast %gt3A_46 : f32 to vector<16xf32>
    %gt3A_48 = arith.cmpf ogt, %get3A_45, %gt3A_47 : vector<16xf32>
    %add3A_49 = arith.constant 0 : i32
    %add3A_50 = arith.addi %mul3A_2, %add3A_49 : i32
    %dma_start3A = arith.constant 0 : i32
    %dma_start3A_51 = arith.constant 0 : i32
    %dma_start3A_52 = arith.constant 0 : i32
    %dma_start3A_53 = arith.constant 0 : i32
    %dma_start3A_54 = arith.constant 0 : i32
    %dma_start3A_55 = tpu.memref_slice %arg6[%dma_start3A, %dma_start3A_52, %dma_start3A_53, %dma_start3A_54] : memref<2x3x56x128xf32, #tpu.memory_space<vmem>> -> memref<1x3x56x128xf32, #tpu.memory_space<vmem>>
    %dma_start3A_56 = tpu.memref_squeeze %dma_start3A_55 : memref<1x3x56x128xf32, #tpu.memory_space<vmem>> -> memref<3x56x128xf32, #tpu.memory_space<vmem>>
    %dma_start3A_57 = arith.constant 0 : i32
    %dma_start3A_58 = arith.constant 0 : i32
    %dma_start3A_59 = tpu.memref_slice %arg2[%dma_start3A_57, %add3A_50, %dma_start3A_58] : memref<3x50176x128xf32, #tpu.memory_space<hbm>> -> memref<3x56x128xf32, #tpu.memory_space<hbm>>
    %dma_start3A_60 = tpu.memref_slice %arg8[%dma_start3A_51] : memref<2x!tpu.dma_semaphore, #tpu.memory_space<semaphore_mem>> -> memref<1x!tpu.dma_semaphore, #tpu.memory_space<semaphore_mem>>
    %dma_start3A_61 = tpu.memref_squeeze %dma_start3A_60 : memref<1x!tpu.dma_semaphore, #tpu.memory_space<semaphore_mem>> -> memref<!tpu.dma_semaphore, #tpu.memory_space<semaphore_mem>>
    %dma_start3A_62 = arith.constant 0 : i32
    %dma_start3A_63 = arith.constant 0 : i32
    %dma_start3A_64 = arith.constant 0 : i32
    %dma_start3A_65 = tpu.memref_slice %arg6[%dma_start3A, %dma_start3A_62, %dma_start3A_63, %dma_start3A_64] : memref<2x3x56x128xf32, #tpu.memory_space<vmem>> -> memref<1x3x56x128xf32, #tpu.memory_space<vmem>>
    %dma_start3A_66 = tpu.memref_squeeze %dma_start3A_65 : memref<1x3x56x128xf32, #tpu.memory_space<vmem>> -> memref<3x56x128xf32, #tpu.memory_space<vmem>>
    %dma_start3A_67 = arith.constant 0 : i32
    %dma_start3A_68 = arith.constant 0 : i32
    %dma_start3A_69 = tpu.memref_slice %arg2[%dma_start3A_67, %add3A_50, %dma_start3A_68] : memref<3x50176x128xf32, #tpu.memory_space<hbm>> -> memref<3x56x128xf32, #tpu.memory_space<hbm>>
    tpu.enqueue_dma source(%dma_start3A_69 : memref<3x56x128xf32, #tpu.memory_space<hbm>>) target(%dma_start3A_66 : memref<3x56x128xf32, #tpu.memory_space<vmem>>) target_semaphore(%dma_start3A_61 : memref<!tpu.dma_semaphore, #tpu.memory_space<semaphore_mem>>)
    %add3A_70 = arith.constant 56 : i32
    %add3A_71 = arith.addi %mul3A_2, %add3A_70 : i32
    %dma_start3A_72 = arith.constant 1 : i32
    %dma_start3A_73 = arith.constant 1 : i32
    %dma_start3A_74 = arith.constant 0 : i32
    %dma_start3A_75 = arith.constant 0 : i32
    %dma_start3A_76 = arith.constant 0 : i32
    %dma_start3A_77 = tpu.memref_slice %arg6[%dma_start3A_72, %dma_start3A_74, %dma_start3A_75, %dma_start3A_76] : memref<2x3x56x128xf32, #tpu.memory_space<vmem>> -> memref<1x3x56x128xf32, #tpu.memory_space<vmem>>
    %dma_start3A_78 = tpu.memref_squeeze %dma_start3A_77 : memref<1x3x56x128xf32, #tpu.memory_space<vmem>> -> memref<3x56x128xf32, #tpu.memory_space<vmem>>
    %dma_start3A_79 = arith.constant 0 : i32
    %dma_start3A_80 = arith.constant 0 : i32
    %dma_start3A_81 = tpu.memref_slice %arg2[%dma_start3A_79, %add3A_71, %dma_start3A_80] : memref<3x50176x128xf32, #tpu.memory_space<hbm>> -> memref<3x56x128xf32, #tpu.memory_space<hbm>>
    %dma_start3A_82 = tpu.memref_slice %arg8[%dma_start3A_73] : memref<2x!tpu.dma_semaphore, #tpu.memory_space<semaphore_mem>> -> memref<1x!tpu.dma_semaphore, #tpu.memory_space<semaphore_mem>>
    %dma_start3A_83 = tpu.memref_squeeze %dma_start3A_82 : memref<1x!tpu.dma_semaphore, #tpu.memory_space<semaphore_mem>> -> memref<!tpu.dma_semaphore, #tpu.memory_space<semaphore_mem>>
    %dma_start3A_84 = arith.constant 0 : i32
    %dma_start3A_85 = arith.constant 0 : i32
    %dma_start3A_86 = arith.constant 0 : i32
    %dma_start3A_87 = tpu.memref_slice %arg6[%dma_start3A_72, %dma_start3A_84, %dma_start3A_85, %dma_start3A_86] : memref<2x3x56x128xf32, #tpu.memory_space<vmem>> -> memref<1x3x56x128xf32, #tpu.memory_space<vmem>>
    %dma_start3A_88 = tpu.memref_squeeze %dma_start3A_87 : memref<1x3x56x128xf32, #tpu.memory_space<vmem>> -> memref<3x56x128xf32, #tpu.memory_space<vmem>>
    %dma_start3A_89 = arith.constant 0 : i32
    %dma_start3A_90 = arith.constant 0 : i32
    %dma_start3A_91 = tpu.memref_slice %arg2[%dma_start3A_89, %add3A_71, %dma_start3A_90] : memref<3x50176x128xf32, #tpu.memory_space<hbm>> -> memref<3x56x128xf32, #tpu.memory_space<hbm>>
    tpu.enqueue_dma source(%dma_start3A_91 : memref<3x56x128xf32, #tpu.memory_space<hbm>>) target(%dma_start3A_88 : memref<3x56x128xf32, #tpu.memory_space<vmem>>) target_semaphore(%dma_start3A_83 : memref<!tpu.dma_semaphore, #tpu.memory_space<semaphore_mem>>)
    %scan3A = arith.constant 0 : i32
    %scan3A_92 = arith.constant 0 : i32
    %scan3A_93 = arith.constant 14 : i32
    %scan3A_94 = arith.addi %scan3A_92, %scan3A_93 : i32
    %scan3A_95 = arith.constant 1 : i32
    scf.for %scan3A_140 = %scan3A_92 to %scan3A_94 step %scan3A_95  : i32 {
      %mul3A_141 = arith.constant 2 : i32
      %mul3A_142 = arith.muli %scan3A_140, %mul3A_141 : i32
      %add3A_143 = arith.constant 0 : i32
      %add3A_144 = arith.addi %mul3A_142, %add3A_143 : i32
      %mul3A_145 = arith.constant 56 : i32
      %mul3A_146 = arith.muli %add3A_144, %mul3A_145 : i32
      %add3A_147 = arith.addi %mul3A_2, %mul3A_146 : i32
      %dma_wait3A_148 = arith.constant 0 : i32
      %dma_wait3A_149 = arith.constant 0 : i32
      %dma_wait3A_150 = arith.constant 0 : i32
      %dma_wait3A_151 = arith.constant 0 : i32
      %dma_wait3A_152 = arith.constant 0 : i32
      %dma_wait3A_153 = tpu.memref_slice %arg6[%dma_wait3A_148, %dma_wait3A_150, %dma_wait3A_151, %dma_wait3A_152] : memref<2x3x56x128xf32, #tpu.memory_space<vmem>> -> memref<1x3x56x128xf32, #tpu.memory_space<vmem>>
      %dma_wait3A_154 = tpu.memref_squeeze %dma_wait3A_153 : memref<1x3x56x128xf32, #tpu.memory_space<vmem>> -> memref<3x56x128xf32, #tpu.memory_space<vmem>>
      %dma_wait3A_155 = arith.constant 0 : i32
      %dma_wait3A_156 = arith.constant 0 : i32
      %dma_wait3A_157 = tpu.memref_slice %arg2[%dma_wait3A_155, %add3A_147, %dma_wait3A_156] : memref<3x50176x128xf32, #tpu.memory_space<hbm>> -> memref<3x56x128xf32, #tpu.memory_space<hbm>>
      %dma_wait3A_158 = tpu.memref_slice %arg8[%dma_wait3A_149] : memref<2x!tpu.dma_semaphore, #tpu.memory_space<semaphore_mem>> -> memref<1x!tpu.dma_semaphore, #tpu.memory_space<semaphore_mem>>
      %dma_wait3A_159 = tpu.memref_squeeze %dma_wait3A_158 : memref<1x!tpu.dma_semaphore, #tpu.memory_space<semaphore_mem>> -> memref<!tpu.dma_semaphore, #tpu.memory_space<semaphore_mem>>
      %dma_wait3A_160 = arith.constant 0 : i32
      %dma_wait3A_161 = arith.constant 0 : i32
      %dma_wait3A_162 = arith.constant 0 : i32
      %dma_wait3A_163 = tpu.memref_slice %arg6[%dma_wait3A_148, %dma_wait3A_160, %dma_wait3A_161, %dma_wait3A_162] : memref<2x3x56x128xf32, #tpu.memory_space<vmem>> -> memref<1x3x56x128xf32, #tpu.memory_space<vmem>>
      %dma_wait3A_164 = tpu.memref_squeeze %dma_wait3A_163 : memref<1x3x56x128xf32, #tpu.memory_space<vmem>> -> memref<3x56x128xf32, #tpu.memory_space<vmem>>
      %dma_wait3A_165 = arith.constant 0 : i32
      %dma_wait3A_166 = arith.constant 0 : i32
      %dma_wait3A_167 = tpu.memref_slice %arg2[%dma_wait3A_165, %add3A_147, %dma_wait3A_166] : memref<3x50176x128xf32, #tpu.memory_space<hbm>> -> memref<3x56x128xf32, #tpu.memory_space<hbm>>
      tpu.wait_dma2 semaphore(%dma_wait3A_159 : memref<!tpu.dma_semaphore, #tpu.memory_space<semaphore_mem>>) src(%dma_wait3A_167 : memref<3x56x128xf32, #tpu.memory_space<hbm>>) dst(%dma_wait3A_164 : memref<3x56x128xf32, #tpu.memory_space<vmem>>)
      %ge3A = arith.constant 2 : i32
      %ge3A_168 = arith.cmpi sge, %add3A_144, %ge3A : i32
      %convert_element_type3A = arith.extui %ge3A_168 : i1 to i32
      %cond3A = arith.constant 0 : i32
      %cond3A_169 = arith.cmpi ne, %convert_element_type3A, %cond3A : i32
      scf.if %cond3A_169 {
        %sub3A = arith.constant 2 : i32
        %sub3A_267 = arith.subi %add3A_144, %sub3A : i32
        %mul3A_268 = arith.constant 56 : i32
        %mul3A_269 = arith.muli %sub3A_267, %mul3A_268 : i32
        %add3A_270 = arith.addi %mul3A_2, %mul3A_269 : i32
        %dma_wait3A_271 = arith.constant 0 : i32
        %dma_wait3A_272 = arith.constant 0 : i32
        %dma_wait3A_273 = arith.constant 0 : i32
        %dma_wait3A_274 = arith.constant 0 : i32
        %dma_wait3A_275 = arith.constant 0 : i32
        %dma_wait3A_276 = tpu.memref_slice %arg7[%dma_wait3A_271, %dma_wait3A_273, %dma_wait3A_274, %dma_wait3A_275] : memref<2x3x56x128xf32, #tpu.memory_space<vmem>> -> memref<1x3x56x128xf32, #tpu.memory_space<vmem>>
        %dma_wait3A_277 = tpu.memref_squeeze %dma_wait3A_276 : memref<1x3x56x128xf32, #tpu.memory_space<vmem>> -> memref<3x56x128xf32, #tpu.memory_space<vmem>>
        %dma_wait3A_278 = arith.constant 0 : i32
        %dma_wait3A_279 = arith.constant 0 : i32
        %dma_wait3A_280 = tpu.memref_slice %arg4[%dma_wait3A_278, %add3A_270, %dma_wait3A_279] : memref<3x50176x128xf32, #tpu.memory_space<hbm>> -> memref<3x56x128xf32, #tpu.memory_space<hbm>>
        %dma_wait3A_281 = tpu.memref_slice %arg9[%dma_wait3A_272] : memref<2x!tpu.dma_semaphore, #tpu.memory_space<semaphore_mem>> -> memref<1x!tpu.dma_semaphore, #tpu.memory_space<semaphore_mem>>
        %dma_wait3A_282 = tpu.memref_squeeze %dma_wait3A_281 : memref<1x!tpu.dma_semaphore, #tpu.memory_space<semaphore_mem>> -> memref<!tpu.dma_semaphore, #tpu.memory_space<semaphore_mem>>
        %dma_wait3A_283 = arith.constant 0 : i32
        %dma_wait3A_284 = arith.constant 0 : i32
        %dma_wait3A_285 = tpu.memref_slice %arg4[%dma_wait3A_283, %add3A_270, %dma_wait3A_284] : memref<3x50176x128xf32, #tpu.memory_space<hbm>> -> memref<3x56x128xf32, #tpu.memory_space<hbm>>
        %dma_wait3A_286 = arith.constant 0 : i32
        %dma_wait3A_287 = arith.constant 0 : i32
        %dma_wait3A_288 = arith.constant 0 : i32
        %dma_wait3A_289 = tpu.memref_slice %arg7[%dma_wait3A_271, %dma_wait3A_286, %dma_wait3A_287, %dma_wait3A_288] : memref<2x3x56x128xf32, #tpu.memory_space<vmem>> -> memref<1x3x56x128xf32, #tpu.memory_space<vmem>>
        %dma_wait3A_290 = tpu.memref_squeeze %dma_wait3A_289 : memref<1x3x56x128xf32, #tpu.memory_space<vmem>> -> memref<3x56x128xf32, #tpu.memory_space<vmem>>
        tpu.wait_dma2 semaphore(%dma_wait3A_282 : memref<!tpu.dma_semaphore, #tpu.memory_space<semaphore_mem>>) src(%dma_wait3A_290 : memref<3x56x128xf32, #tpu.memory_space<vmem>>) dst(%dma_wait3A_285 : memref<3x56x128xf32, #tpu.memory_space<hbm>>)
      } else {
      }
      %scan3A_170 = arith.constant 0 : i32
      %scan3A_171 = arith.constant 0 : i32
      %scan3A_172 = arith.constant 56 : i32
      %scan3A_173 = arith.addi %scan3A_171, %scan3A_172 : i32
      %scan3A_174 = arith.constant 1 : i32
      scf.for %scan3A_267 = %scan3A_171 to %scan3A_173 step %scan3A_174  : i32 {
        %get3A_268 = arith.constant 0 : i32
        %get3A_269 = arith.constant 0 : i32
        %get3A_270 = arith.index_cast %get3A_268 : i32 to index
        %get3A_271 = arith.index_cast %get3A_269 : i32 to index
        %get3A_272 = arith.index_cast %scan3A_267 : i32 to index
        %get3A_273 = arith.constant 0 : index
        %get3A_274 = tpu.vector_load %arg6[%get3A_270, %get3A_271, %get3A_272, %get3A_273] {strides = array<i32>} : memref<2x3x56x128xf32, #tpu.memory_space<vmem>>, vector<1x1x1x16xf32>,
        %get3A_275 = vector.shape_cast %get3A_274 : vector<1x1x1x16xf32> to vector<16xf32>
        %get3A_276 = arith.constant 0 : i32
        %get3A_277 = arith.constant 1 : i32
        %get3A_278 = arith.index_cast %get3A_276 : i32 to index
        %get3A_279 = arith.index_cast %get3A_277 : i32 to index
        %get3A_280 = arith.index_cast %scan3A_267 : i32 to index
        %get3A_281 = arith.constant 0 : index
        %get3A_282 = tpu.vector_load %arg6[%get3A_278, %get3A_279, %get3A_280, %get3A_281] {strides = array<i32>} : memref<2x3x56x128xf32, #tpu.memory_space<vmem>>, vector<1x1x1x16xf32>,
        %get3A_283 = vector.shape_cast %get3A_282 : vector<1x1x1x16xf32> to vector<16xf32>
        %get3A_284 = arith.constant 0 : i32
        %get3A_285 = arith.constant 2 : i32
        %get3A_286 = arith.index_cast %get3A_284 : i32 to index
        %get3A_287 = arith.index_cast %get3A_285 : i32 to index
        %get3A_288 = arith.index_cast %scan3A_267 : i32 to index
        %get3A_289 = arith.constant 0 : index
        %get3A_290 = tpu.vector_load %arg6[%get3A_286, %get3A_287, %get3A_288, %get3A_289] {strides = array<i32>} : memref<2x3x56x128xf32, #tpu.memory_space<vmem>>, vector<1x1x1x16xf32>,
        %get3A_291 = vector.shape_cast %get3A_290 : vector<1x1x1x16xf32> to vector<16xf32>
        %mul3A_292 = arith.constant 2.990000e-01 : f32
        %mul3A_293 = vector.broadcast %mul3A_292 : f32 to vector<16xf32>
        %mul3A_294 = arith.mulf %get3A_275, %mul3A_293 : vector<16xf32>
        %mul3A_295 = arith.constant 5.870000e-01 : f32
        %mul3A_296 = vector.broadcast %mul3A_295 : f32 to vector<16xf32>
        %mul3A_297 = arith.mulf %get3A_283, %mul3A_296 : vector<16xf32>
        %add3A_298 = arith.addf %mul3A_294, %mul3A_297 : vector<16xf32>
        %mul3A_299 = arith.constant 1.140000e-01 : f32
        %mul3A_300 = vector.broadcast %mul3A_299 : f32 to vector<16xf32>
        %mul3A_301 = arith.mulf %get3A_291, %mul3A_300 : vector<16xf32>
        %add3A_302 = arith.addf %add3A_298, %mul3A_301 : vector<16xf32>
        %select_n3A = arith.select %gt3A_6, %add3A_302, %get3A_275 : vector<16xi1>, vector<16xf32>
        %swap3A = arith.constant 0 : i32
        %swap3A_303 = arith.constant 0 : i32
        %swap3A_304 = arith.index_cast %swap3A : i32 to index
        %swap3A_305 = arith.index_cast %swap3A_303 : i32 to index
        %swap3A_306 = arith.index_cast %scan3A_267 : i32 to index
        %swap3A_307 = arith.constant 0 : index
        %swap3A_308 = tpu.vector_load %arg7[%swap3A_304, %swap3A_305, %swap3A_306, %swap3A_307] {strides = array<i32>} : memref<2x3x56x128xf32, #tpu.memory_space<vmem>>, vector<1x1x1x16xf32>,
        %swap3A_309 = vector.shape_cast %swap3A_308 : vector<1x1x1x16xf32> to vector<16xf32>
        %swap3A_310 = vector.shape_cast %select_n3A : vector<16xf32> to vector<1x1x1x16xf32>
        tpu.vector_store %arg7[%swap3A_304, %swap3A_305, %swap3A_306, %swap3A_307], %swap3A_310 {strides = array<i32>} : memref<2x3x56x128xf32, #tpu.memory_space<vmem>>, vector<1x1x1x16xf32>,
        %select_n3A_311 = arith.select %gt3A_6, %add3A_302, %get3A_283 : vector<16xi1>, vector<16xf32>
        %swap3A_312 = arith.constant 0 : i32
        %swap3A_313 = arith.constant 1 : i32
        %swap3A_314 = arith.index_cast %swap3A_312 : i32 to index
        %swap3A_315 = arith.index_cast %swap3A_313 : i32 to index
        %swap3A_316 = arith.index_cast %scan3A_267 : i32 to index
        %swap3A_317 = arith.constant 0 : index
        %swap3A_318 = tpu.vector_load %arg7[%swap3A_314, %swap3A_315, %swap3A_316, %swap3A_317] {strides = array<i32>} : memref<2x3x56x128xf32, #tpu.memory_space<vmem>>, vector<1x1x1x16xf32>,
        %swap3A_319 = vector.shape_cast %swap3A_318 : vector<1x1x1x16xf32> to vector<16xf32>
        %swap3A_320 = vector.shape_cast %select_n3A_311 : vector<16xf32> to vector<1x1x1x16xf32>
        tpu.vector_store %arg7[%swap3A_314, %swap3A_315, %swap3A_316, %swap3A_317], %swap3A_320 {strides = array<i32>} : memref<2x3x56x128xf32, #tpu.memory_space<vmem>>, vector<1x1x1x16xf32>,
        %select_n3A_321 = arith.select %gt3A_6, %add3A_302, %get3A_291 : vector<16xi1>, vector<16xf32>
        %swap3A_322 = arith.constant 0 : i32
        %swap3A_323 = arith.constant 2 : i32
        %swap3A_324 = arith.index_cast %swap3A_322 : i32 to index
        %swap3A_325 = arith.index_cast %swap3A_323 : i32 to index
        %swap3A_326 = arith.index_cast %scan3A_267 : i32 to index
        %swap3A_327 = arith.constant 0 : index
        %swap3A_328 = tpu.vector_load %arg7[%swap3A_324, %swap3A_325, %swap3A_326, %swap3A_327] {strides = array<i32>} : memref<2x3x56x128xf32, #tpu.memory_space<vmem>>, vector<1x1x1x16xf32>,
        %swap3A_329 = vector.shape_cast %swap3A_328 : vector<1x1x1x16xf32> to vector<16xf32>
        %swap3A_330 = vector.shape_cast %select_n3A_321 : vector<16xf32> to vector<1x1x1x16xf32>
        tpu.vector_store %arg7[%swap3A_324, %swap3A_325, %swap3A_326, %swap3A_327], %swap3A_330 {strides = array<i32>} : memref<2x3x56x128xf32, #tpu.memory_space<vmem>>, vector<1x1x1x16xf32>,
        %get3A_331 = arith.constant 0 : i32
        %get3A_332 = arith.constant 0 : i32
        %get3A_333 = arith.index_cast %get3A_331 : i32 to index
        %get3A_334 = arith.index_cast %get3A_332 : i32 to index
        %get3A_335 = arith.index_cast %scan3A_267 : i32 to index
        %get3A_336 = arith.constant 16 : index
        %get3A_337 = tpu.vector_load %arg6[%get3A_333, %get3A_334, %get3A_335, %get3A_336] {strides = array<i32>} : memref<2x3x56x128xf32, #tpu.memory_space<vmem>>, vector<1x1x1x16xf32>,
        %get3A_338 = vector.shape_cast %get3A_337 : vector<1x1x1x16xf32> to vector<16xf32>
        %get3A_339 = arith.constant 0 : i32
        %get3A_340 = arith.constant 1 : i32
        %get3A_341 = arith.index_cast %get3A_339 : i32 to index
        %get3A_342 = arith.index_cast %get3A_340 : i32 to index
        %get3A_343 = arith.index_cast %scan3A_267 : i32 to index
        %get3A_344 = arith.constant 16 : index
        %get3A_345 = tpu.vector_load %arg6[%get3A_341, %get3A_342, %get3A_343, %get3A_344] {strides = array<i32>} : memref<2x3x56x128xf32, #tpu.memory_space<vmem>>, vector<1x1x1x16xf32>,
        %get3A_346 = vector.shape_cast %get3A_345 : vector<1x1x1x16xf32> to vector<16xf32>
        %get3A_347 = arith.constant 0 : i32
        %get3A_348 = arith.constant 2 : i32
        %get3A_349 = arith.index_cast %get3A_347 : i32 to index
        %get3A_350 = arith.index_cast %get3A_348 : i32 to index
        %get3A_351 = arith.index_cast %scan3A_267 : i32 to index
        %get3A_352 = arith.constant 16 : index
        %get3A_353 = tpu.vector_load %arg6[%get3A_349, %get3A_350, %get3A_351, %get3A_352] {strides = array<i32>} : memref<2x3x56x128xf32, #tpu.memory_space<vmem>>, vector<1x1x1x16xf32>,
        %get3A_354 = vector.shape_cast %get3A_353 : vector<1x1x1x16xf32> to vector<16xf32>
        %mul3A_355 = arith.constant 2.990000e-01 : f32
        %mul3A_356 = vector.broadcast %mul3A_355 : f32 to vector<16xf32>
        %mul3A_357 = arith.mulf %get3A_338, %mul3A_356 : vector<16xf32>
        %mul3A_358 = arith.constant 5.870000e-01 : f32
        %mul3A_359 = vector.broadcast %mul3A_358 : f32 to vector<16xf32>
        %mul3A_360 = arith.mulf %get3A_346, %mul3A_359 : vector<16xf32>
        %add3A_361 = arith.addf %mul3A_357, %mul3A_360 : vector<16xf32>
        %mul3A_362 = arith.constant 1.140000e-01 : f32
        %mul3A_363 = vector.broadcast %mul3A_362 : f32 to vector<16xf32>
        %mul3A_364 = arith.mulf %get3A_354, %mul3A_363 : vector<16xf32>
        %add3A_365 = arith.addf %add3A_361, %mul3A_364 : vector<16xf32>
        %select_n3A_366 = arith.select %gt3A_12, %add3A_365, %get3A_338 : vector<16xi1>, vector<16xf32>
        %swap3A_367 = arith.constant 0 : i32
        %swap3A_368 = arith.constant 0 : i32
        %swap3A_369 = arith.index_cast %swap3A_367 : i32 to index
        %swap3A_370 = arith.index_cast %swap3A_368 : i32 to index
        %swap3A_371 = arith.index_cast %scan3A_267 : i32 to index
        %swap3A_372 = arith.constant 16 : index
        %swap3A_373 = tpu.vector_load %arg7[%swap3A_369, %swap3A_370, %swap3A_371, %swap3A_372] {strides = array<i32>} : memref<2x3x56x128xf32, #tpu.memory_space<vmem>>, vector<1x1x1x16xf32>,
        %swap3A_374 = vector.shape_cast %swap3A_373 : vector<1x1x1x16xf32> to vector<16xf32>
        %swap3A_375 = vector.shape_cast %select_n3A_366 : vector<16xf32> to vector<1x1x1x16xf32>
        tpu.vector_store %arg7[%swap3A_369, %swap3A_370, %swap3A_371, %swap3A_372], %swap3A_375 {strides = array<i32>} : memref<2x3x56x128xf32, #tpu.memory_space<vmem>>, vector<1x1x1x16xf32>,
        %select_n3A_376 = arith.select %gt3A_12, %add3A_365, %get3A_346 : vector<16xi1>, vector<16xf32>
        %swap3A_377 = arith.constant 0 : i32
        %swap3A_378 = arith.constant 1 : i32
        %swap3A_379 = arith.index_cast %swap3A_377 : i32 to index
        %swap3A_380 = arith.index_cast %swap3A_378 : i32 to index
        %swap3A_381 = arith.index_cast %scan3A_267 : i32 to index
        %swap3A_382 = arith.constant 16 : index
        %swap3A_383 = tpu.vector_load %arg7[%swap3A_379, %swap3A_380, %swap3A_381, %swap3A_382] {strides = array<i32>} : memref<2x3x56x128xf32, #tpu.memory_space<vmem>>, vector<1x1x1x16xf32>,
        %swap3A_384 = vector.shape_cast %swap3A_383 : vector<1x1x1x16xf32> to vector<16xf32>
        %swap3A_385 = vector.shape_cast %select_n3A_376 : vector<16xf32> to vector<1x1x1x16xf32>
        tpu.vector_store %arg7[%swap3A_379, %swap3A_380, %swap3A_381, %swap3A_382], %swap3A_385 {strides = array<i32>} : memref<2x3x56x128xf32, #tpu.memory_space<vmem>>, vector<1x1x1x16xf32>,
        %select_n3A_386 = arith.select %gt3A_12, %add3A_365, %get3A_354 : vector<16xi1>, vector<16xf32>
        %swap3A_387 = arith.constant 0 : i32
        %swap3A_388 = arith.constant 2 : i32
        %swap3A_389 = arith.index_cast %swap3A_387 : i32 to index
        %swap3A_390 = arith.index_cast %swap3A_388 : i32 to index
        %swap3A_391 = arith.index_cast %scan3A_267 : i32 to index
        %swap3A_392 = arith.constant 16 : index
        %swap3A_393 = tpu.vector_load %arg7[%swap3A_389, %swap3A_390, %swap3A_391, %swap3A_392] {strides = array<i32>} : memref<2x3x56x128xf32, #tpu.memory_space<vmem>>, vector<1x1x1x16xf32>,
        %swap3A_394 = vector.shape_cast %swap3A_393 : vector<1x1x1x16xf32> to vector<16xf32>
        %swap3A_395 = vector.shape_cast %select_n3A_386 : vector<16xf32> to vector<1x1x1x16xf32>
        tpu.vector_store %arg7[%swap3A_389, %swap3A_390, %swap3A_391, %swap3A_392], %swap3A_395 {strides = array<i32>} : memref<2x3x56x128xf32, #tpu.memory_space<vmem>>, vector<1x1x1x16xf32>,
        %get3A_396 = arith.constant 0 : i32
        %get3A_397 = arith.constant 0 : i32
        %get3A_398 = arith.index_cast %get3A_396 : i32 to index
        %get3A_399 = arith.index_cast %get3A_397 : i32 to index
        %get3A_400 = arith.index_cast %scan3A_267 : i32 to index
        %get3A_401 = arith.constant 32 : index
        %get3A_402 = tpu.vector_load %arg6[%get3A_398, %get3A_399, %get3A_400, %get3A_401] {strides = array<i32>} : memref<2x3x56x128xf32, #tpu.memory_space<vmem>>, vector<1x1x1x16xf32>,
        %get3A_403 = vector.shape_cast %get3A_402 : vector<1x1x1x16xf32> to vector<16xf32>
        %get3A_404 = arith.constant 0 : i32
        %get3A_405 = arith.constant 1 : i32
        %get3A_406 = arith.index_cast %get3A_404 : i32 to index
        %get3A_407 = arith.index_cast %get3A_405 : i32 to index
        %get3A_408 = arith.index_cast %scan3A_267 : i32 to index
        %get3A_409 = arith.constant 32 : index
        %get3A_410 = tpu.vector_load %arg6[%get3A_406, %get3A_407, %get3A_408, %get3A_409] {strides = array<i32>} : memref<2x3x56x128xf32, #tpu.memory_space<vmem>>, vector<1x1x1x16xf32>,
        %get3A_411 = vector.shape_cast %get3A_410 : vector<1x1x1x16xf32> to vector<16xf32>
        %get3A_412 = arith.constant 0 : i32
        %get3A_413 = arith.constant 2 : i32
        %get3A_414 = arith.index_cast %get3A_412 : i32 to index
        %get3A_415 = arith.index_cast %get3A_413 : i32 to index
        %get3A_416 = arith.index_cast %scan3A_267 : i32 to index
        %get3A_417 = arith.constant 32 : index
        %get3A_418 = tpu.vector_load %arg6[%get3A_414, %get3A_415, %get3A_416, %get3A_417] {strides = array<i32>} : memref<2x3x56x128xf32, #tpu.memory_space<vmem>>, vector<1x1x1x16xf32>,
        %get3A_419 = vector.shape_cast %get3A_418 : vector<1x1x1x16xf32> to vector<16xf32>
        %mul3A_420 = arith.constant 2.990000e-01 : f32
        %mul3A_421 = vector.broadcast %mul3A_420 : f32 to vector<16xf32>
        %mul3A_422 = arith.mulf %get3A_403, %mul3A_421 : vector<16xf32>
        %mul3A_423 = arith.constant 5.870000e-01 : f32
        %mul3A_424 = vector.broadcast %mul3A_423 : f32 to vector<16xf32>
        %mul3A_425 = arith.mulf %get3A_411, %mul3A_424 : vector<16xf32>
        %add3A_426 = arith.addf %mul3A_422, %mul3A_425 : vector<16xf32>
        %mul3A_427 = arith.constant 1.140000e-01 : f32
        %mul3A_428 = vector.broadcast %mul3A_427 : f32 to vector<16xf32>
        %mul3A_429 = arith.mulf %get3A_419, %mul3A_428 : vector<16xf32>
        %add3A_430 = arith.addf %add3A_426, %mul3A_429 : vector<16xf32>
        %select_n3A_431 = arith.select %gt3A_18, %add3A_430, %get3A_403 : vector<16xi1>, vector<16xf32>
        %swap3A_432 = arith.constant 0 : i32
        %swap3A_433 = arith.constant 0 : i32
        %swap3A_434 = arith.index_cast %swap3A_432 : i32 to index
        %swap3A_435 = arith.index_cast %swap3A_433 : i32 to index
        %swap3A_436 = arith.index_cast %scan3A_267 : i32 to index
        %swap3A_437 = arith.constant 32 : index
        %swap3A_438 = tpu.vector_load %arg7[%swap3A_434, %swap3A_435, %swap3A_436, %swap3A_437] {strides = array<i32>} : memref<2x3x56x128xf32, #tpu.memory_space<vmem>>, vector<1x1x1x16xf32>,
        %swap3A_439 = vector.shape_cast %swap3A_438 : vector<1x1x1x16xf32> to vector<16xf32>
        %swap3A_440 = vector.shape_cast %select_n3A_431 : vector<16xf32> to vector<1x1x1x16xf32>
        tpu.vector_store %arg7[%swap3A_434, %swap3A_435, %swap3A_436, %swap3A_437], %swap3A_440 {strides = array<i32>} : memref<2x3x56x128xf32, #tpu.memory_space<vmem>>, vector<1x1x1x16xf32>,
        %select_n3A_441 = arith.select %gt3A_18, %add3A_430, %get3A_411 : vector<16xi1>, vector<16xf32>
        %swap3A_442 = arith.constant 0 : i32
        %swap3A_443 = arith.constant 1 : i32
        %swap3A_444 = arith.index_cast %swap3A_442 : i32 to index
        %swap3A_445 = arith.index_cast %swap3A_443 : i32 to index
        %swap3A_446 = arith.index_cast %scan3A_267 : i32 to index
        %swap3A_447 = arith.constant 32 : index
        %swap3A_448 = tpu.vector_load %arg7[%swap3A_444, %swap3A_445, %swap3A_446, %swap3A_447] {strides = array<i32>} : memref<2x3x56x128xf32, #tpu.memory_space<vmem>>, vector<1x1x1x16xf32>,
        %swap3A_449 = vector.shape_cast %swap3A_448 : vector<1x1x1x16xf32> to vector<16xf32>
        %swap3A_450 = vector.shape_cast %select_n3A_441 : vector<16xf32> to vector<1x1x1x16xf32>
        tpu.vector_store %arg7[%swap3A_444, %swap3A_445, %swap3A_446, %swap3A_447], %swap3A_450 {strides = array<i32>} : memref<2x3x56x128xf32, #tpu.memory_space<vmem>>, vector<1x1x1x16xf32>,
        %select_n3A_451 = arith.select %gt3A_18, %add3A_430, %get3A_419 : vector<16xi1>, vector<16xf32>
        %swap3A_452 = arith.constant 0 : i32
        %swap3A_453 = arith.constant 2 : i32
        %swap3A_454 = arith.index_cast %swap3A_452 : i32 to index
        %swap3A_455 = arith.index_cast %swap3A_453 : i32 to index
        %swap3A_456 = arith.index_cast %scan3A_267 : i32 to index
        %swap3A_457 = arith.constant 32 : index
        %swap3A_458 = tpu.vector_load %arg7[%swap3A_454, %swap3A_455, %swap3A_456, %swap3A_457] {strides = array<i32>} : memref<2x3x56x128xf32, #tpu.memory_space<vmem>>, vector<1x1x1x16xf32>,
        %swap3A_459 = vector.shape_cast %swap3A_458 : vector<1x1x1x16xf32> to vector<16xf32>
        %swap3A_460 = vector.shape_cast %select_n3A_451 : vector<16xf32> to vector<1x1x1x16xf32>
        tpu.vector_store %arg7[%swap3A_454, %swap3A_455, %swap3A_456, %swap3A_457], %swap3A_460 {strides = array<i32>} : memref<2x3x56x128xf32, #tpu.memory_space<vmem>>, vector<1x1x1x16xf32>,
        %get3A_461 = arith.constant 0 : i32
        %get3A_462 = arith.constant 0 : i32
        %get3A_463 = arith.index_cast %get3A_461 : i32 to index
        %get3A_464 = arith.index_cast %get3A_462 : i32 to index
        %get3A_465 = arith.index_cast %scan3A_267 : i32 to index
        %get3A_466 = arith.constant 48 : index
        %get3A_467 = tpu.vector_load %arg6[%get3A_463, %get3A_464, %get3A_465, %get3A_466] {strides = array<i32>} : memref<2x3x56x128xf32, #tpu.memory_space<vmem>>, vector<1x1x1x16xf32>,
        %get3A_468 = vector.shape_cast %get3A_467 : vector<1x1x1x16xf32> to vector<16xf32>
        %get3A_469 = arith.constant 0 : i32
        %get3A_470 = arith.constant 1 : i32
        %get3A_471 = arith.index_cast %get3A_469 : i32 to index
        %get3A_472 = arith.index_cast %get3A_470 : i32 to index
        %get3A_473 = arith.index_cast %scan3A_267 : i32 to index
        %get3A_474 = arith.constant 48 : index
        %get3A_475 = tpu.vector_load %arg6[%get3A_471, %get3A_472, %get3A_473, %get3A_474] {strides = array<i32>} : memref<2x3x56x128xf32, #tpu.memory_space<vmem>>, vector<1x1x1x16xf32>,
        %get3A_476 = vector.shape_cast %get3A_475 : vector<1x1x1x16xf32> to vector<16xf32>
        %get3A_477 = arith.constant 0 : i32
        %get3A_478 = arith.constant 2 : i32
        %get3A_479 = arith.index_cast %get3A_477 : i32 to index
        %get3A_480 = arith.index_cast %get3A_478 : i32 to index
        %get3A_481 = arith.index_cast %scan3A_267 : i32 to index
        %get3A_482 = arith.constant 48 : index
        %get3A_483 = tpu.vector_load %arg6[%get3A_479, %get3A_480, %get3A_481, %get3A_482] {strides = array<i32>} : memref<2x3x56x128xf32, #tpu.memory_space<vmem>>, vector<1x1x1x16xf32>,
        %get3A_484 = vector.shape_cast %get3A_483 : vector<1x1x1x16xf32> to vector<16xf32>
        %mul3A_485 = arith.constant 2.990000e-01 : f32
        %mul3A_486 = vector.broadcast %mul3A_485 : f32 to vector<16xf32>
        %mul3A_487 = arith.mulf %get3A_468, %mul3A_486 : vector<16xf32>
        %mul3A_488 = arith.constant 5.870000e-01 : f32
        %mul3A_489 = vector.broadcast %mul3A_488 : f32 to vector<16xf32>
        %mul3A_490 = arith.mulf %get3A_476, %mul3A_489 : vector<16xf32>
        %add3A_491 = arith.addf %mul3A_487, %mul3A_490 : vector<16xf32>
        %mul3A_492 = arith.constant 1.140000e-01 : f32
        %mul3A_493 = vector.broadcast %mul3A_492 : f32 to vector<16xf32>
        %mul3A_494 = arith.mulf %get3A_484, %mul3A_493 : vector<16xf32>
        %add3A_495 = arith.addf %add3A_491, %mul3A_494 : vector<16xf32>
        %select_n3A_496 = arith.select %gt3A_24, %add3A_495, %get3A_468 : vector<16xi1>, vector<16xf32>
        %swap3A_497 = arith.constant 0 : i32
        %swap3A_498 = arith.constant 0 : i32
        %swap3A_499 = arith.index_cast %swap3A_497 : i32 to index
        %swap3A_500 = arith.index_cast %swap3A_498 : i32 to index
        %swap3A_501 = arith.index_cast %scan3A_267 : i32 to index
        %swap3A_502 = arith.constant 48 : index
        %swap3A_503 = tpu.vector_load %arg7[%swap3A_499, %swap3A_500, %swap3A_501, %swap3A_502] {strides = array<i32>} : memref<2x3x56x128xf32, #tpu.memory_space<vmem>>, vector<1x1x1x16xf32>,
        %swap3A_504 = vector.shape_cast %swap3A_503 : vector<1x1x1x16xf32> to vector<16xf32>
        %swap3A_505 = vector.shape_cast %select_n3A_496 : vector<16xf32> to vector<1x1x1x16xf32>
        tpu.vector_store %arg7[%swap3A_499, %swap3A_500, %swap3A_501, %swap3A_502], %swap3A_505 {strides = array<i32>} : memref<2x3x56x128xf32, #tpu.memory_space<vmem>>, vector<1x1x1x16xf32>,
        %select_n3A_506 = arith.select %gt3A_24, %add3A_495, %get3A_476 : vector<16xi1>, vector<16xf32>
        %swap3A_507 = arith.constant 0 : i32
        %swap3A_508 = arith.constant 1 : i32
        %swap3A_509 = arith.index_cast %swap3A_507 : i32 to index
        %swap3A_510 = arith.index_cast %swap3A_508 : i32 to index
        %swap3A_511 = arith.index_cast %scan3A_267 : i32 to index
        %swap3A_512 = arith.constant 48 : index
        %swap3A_513 = tpu.vector_load %arg7[%swap3A_509, %swap3A_510, %swap3A_511, %swap3A_512] {strides = array<i32>} : memref<2x3x56x128xf32, #tpu.memory_space<vmem>>, vector<1x1x1x16xf32>,
        %swap3A_514 = vector.shape_cast %swap3A_513 : vector<1x1x1x16xf32> to vector<16xf32>
        %swap3A_515 = vector.shape_cast %select_n3A_506 : vector<16xf32> to vector<1x1x1x16xf32>
        tpu.vector_store %arg7[%swap3A_509, %swap3A_510, %swap3A_511, %swap3A_512], %swap3A_515 {strides = array<i32>} : memref<2x3x56x128xf32, #tpu.memory_space<vmem>>, vector<1x1x1x16xf32>,
        %select_n3A_516 = arith.select %gt3A_24, %add3A_495, %get3A_484 : vector<16xi1>, vector<16xf32>
        %swap3A_517 = arith.constant 0 : i32
        %swap3A_518 = arith.constant 2 : i32
        %swap3A_519 = arith.index_cast %swap3A_517 : i32 to index
        %swap3A_520 = arith.index_cast %swap3A_518 : i32 to index
        %swap3A_521 = arith.index_cast %scan3A_267 : i32 to index
        %swap3A_522 = arith.constant 48 : index
        %swap3A_523 = tpu.vector_load %arg7[%swap3A_519, %swap3A_520, %swap3A_521, %swap3A_522] {strides = array<i32>} : memref<2x3x56x128xf32, #tpu.memory_space<vmem>>, vector<1x1x1x16xf32>,
        %swap3A_524 = vector.shape_cast %swap3A_523 : vector<1x1x1x16xf32> to vector<16xf32>
        %swap3A_525 = vector.shape_cast %select_n3A_516 : vector<16xf32> to vector<1x1x1x16xf32>
        tpu.vector_store %arg7[%swap3A_519, %swap3A_520, %swap3A_521, %swap3A_522], %swap3A_525 {strides = array<i32>} : memref<2x3x56x128xf32, #tpu.memory_space<vmem>>, vector<1x1x1x16xf32>,
        %get3A_526 = arith.constant 0 : i32
        %get3A_527 = arith.constant 0 : i32
        %get3A_528 = arith.index_cast %get3A_526 : i32 to index
        %get3A_529 = arith.index_cast %get3A_527 : i32 to index
        %get3A_530 = arith.index_cast %scan3A_267 : i32 to index
        %get3A_531 = arith.constant 64 : index
        %get3A_532 = tpu.vector_load %arg6[%get3A_528, %get3A_529, %get3A_530, %get3A_531] {strides = array<i32>} : memref<2x3x56x128xf32, #tpu.memory_space<vmem>>, vector<1x1x1x16xf32>,
        %get3A_533 = vector.shape_cast %get3A_532 : vector<1x1x1x16xf32> to vector<16xf32>
        %get3A_534 = arith.constant 0 : i32
        %get3A_535 = arith.constant 1 : i32
        %get3A_536 = arith.index_cast %get3A_534 : i32 to index
        %get3A_537 = arith.index_cast %get3A_535 : i32 to index
        %get3A_538 = arith.index_cast %scan3A_267 : i32 to index
        %get3A_539 = arith.constant 64 : index
        %get3A_540 = tpu.vector_load %arg6[%get3A_536, %get3A_537, %get3A_538, %get3A_539] {strides = array<i32>} : memref<2x3x56x128xf32, #tpu.memory_space<vmem>>, vector<1x1x1x16xf32>,
        %get3A_541 = vector.shape_cast %get3A_540 : vector<1x1x1x16xf32> to vector<16xf32>
        %get3A_542 = arith.constant 0 : i32
        %get3A_543 = arith.constant 2 : i32
        %get3A_544 = arith.index_cast %get3A_542 : i32 to index
        %get3A_545 = arith.index_cast %get3A_543 : i32 to index
        %get3A_546 = arith.index_cast %scan3A_267 : i32 to index
        %get3A_547 = arith.constant 64 : index
        %get3A_548 = tpu.vector_load %arg6[%get3A_544, %get3A_545, %get3A_546, %get3A_547] {strides = array<i32>} : memref<2x3x56x128xf32, #tpu.memory_space<vmem>>, vector<1x1x1x16xf32>,
        %get3A_549 = vector.shape_cast %get3A_548 : vector<1x1x1x16xf32> to vector<16xf32>
        %mul3A_550 = arith.constant 2.990000e-01 : f32
        %mul3A_551 = vector.broadcast %mul3A_550 : f32 to vector<16xf32>
        %mul3A_552 = arith.mulf %get3A_533, %mul3A_551 : vector<16xf32>
        %mul3A_553 = arith.constant 5.870000e-01 : f32
        %mul3A_554 = vector.broadcast %mul3A_553 : f32 to vector<16xf32>
        %mul3A_555 = arith.mulf %get3A_541, %mul3A_554 : vector<16xf32>
        %add3A_556 = arith.addf %mul3A_552, %mul3A_555 : vector<16xf32>
        %mul3A_557 = arith.constant 1.140000e-01 : f32
        %mul3A_558 = vector.broadcast %mul3A_557 : f32 to vector<16xf32>
        %mul3A_559 = arith.mulf %get3A_549, %mul3A_558 : vector<16xf32>
        %add3A_560 = arith.addf %add3A_556, %mul3A_559 : vector<16xf32>
        %select_n3A_561 = arith.select %gt3A_30, %add3A_560, %get3A_533 : vector<16xi1>, vector<16xf32>
        %swap3A_562 = arith.constant 0 : i32
        %swap3A_563 = arith.constant 0 : i32
        %swap3A_564 = arith.index_cast %swap3A_562 : i32 to index
        %swap3A_565 = arith.index_cast %swap3A_563 : i32 to index
        %swap3A_566 = arith.index_cast %scan3A_267 : i32 to index
        %swap3A_567 = arith.constant 64 : index
        %swap3A_568 = tpu.vector_load %arg7[%swap3A_564, %swap3A_565, %swap3A_566, %swap3A_567] {strides = array<i32>} : memref<2x3x56x128xf32, #tpu.memory_space<vmem>>, vector<1x1x1x16xf32>,
        %swap3A_569 = vector.shape_cast %swap3A_568 : vector<1x1x1x16xf32> to vector<16xf32>
        %swap3A_570 = vector.shape_cast %select_n3A_561 : vector<16xf32> to vector<1x1x1x16xf32>
        tpu.vector_store %arg7[%swap3A_564, %swap3A_565, %swap3A_566, %swap3A_567], %swap3A_570 {strides = array<i32>} : memref<2x3x56x128xf32, #tpu.memory_space<vmem>>, vector<1x1x1x16xf32>,
        %select_n3A_571 = arith.select %gt3A_30, %add3A_560, %get3A_541 : vector<16xi1>, vector<16xf32>
        %swap3A_572 = arith.constant 0 : i32
        %swap3A_573 = arith.constant 1 : i32
        %swap3A_574 = arith.index_cast %swap3A_572 : i32 to index
        %swap3A_575 = arith.index_cast %swap3A_573 : i32 to index
        %swap3A_576 = arith.index_cast %scan3A_267 : i32 to index
        %swap3A_577 = arith.constant 64 : index
        %swap3A_578 = tpu.vector_load %arg7[%swap3A_574, %swap3A_575, %swap3A_576, %swap3A_577] {strides = array<i32>} : memref<2x3x56x128xf32, #tpu.memory_space<vmem>>, vector<1x1x1x16xf32>,
        %swap3A_579 = vector.shape_cast %swap3A_578 : vector<1x1x1x16xf32> to vector<16xf32>
        %swap3A_580 = vector.shape_cast %select_n3A_571 : vector<16xf32> to vector<1x1x1x16xf32>
        tpu.vector_store %arg7[%swap3A_574, %swap3A_575, %swap3A_576, %swap3A_577], %swap3A_580 {strides = array<i32>} : memref<2x3x56x128xf32, #tpu.memory_space<vmem>>, vector<1x1x1x16xf32>,
        %select_n3A_581 = arith.select %gt3A_30, %add3A_560, %get3A_549 : vector<16xi1>, vector<16xf32>
        %swap3A_582 = arith.constant 0 : i32
        %swap3A_583 = arith.constant 2 : i32
        %swap3A_584 = arith.index_cast %swap3A_582 : i32 to index
        %swap3A_585 = arith.index_cast %swap3A_583 : i32 to index
        %swap3A_586 = arith.index_cast %scan3A_267 : i32 to index
        %swap3A_587 = arith.constant 64 : index
        %swap3A_588 = tpu.vector_load %arg7[%swap3A_584, %swap3A_585, %swap3A_586, %swap3A_587] {strides = array<i32>} : memref<2x3x56x128xf32, #tpu.memory_space<vmem>>, vector<1x1x1x16xf32>,
        %swap3A_589 = vector.shape_cast %swap3A_588 : vector<1x1x1x16xf32> to vector<16xf32>
        %swap3A_590 = vector.shape_cast %select_n3A_581 : vector<16xf32> to vector<1x1x1x16xf32>
        tpu.vector_store %arg7[%swap3A_584, %swap3A_585, %swap3A_586, %swap3A_587], %swap3A_590 {strides = array<i32>} : memref<2x3x56x128xf32, #tpu.memory_space<vmem>>, vector<1x1x1x16xf32>,
        %get3A_591 = arith.constant 0 : i32
        %get3A_592 = arith.constant 0 : i32
        %get3A_593 = arith.index_cast %get3A_591 : i32 to index
        %get3A_594 = arith.index_cast %get3A_592 : i32 to index
        %get3A_595 = arith.index_cast %scan3A_267 : i32 to index
        %get3A_596 = arith.constant 80 : index
        %get3A_597 = tpu.vector_load %arg6[%get3A_593, %get3A_594, %get3A_595, %get3A_596] {strides = array<i32>} : memref<2x3x56x128xf32, #tpu.memory_space<vmem>>, vector<1x1x1x16xf32>,
        %get3A_598 = vector.shape_cast %get3A_597 : vector<1x1x1x16xf32> to vector<16xf32>
        %get3A_599 = arith.constant 0 : i32
        %get3A_600 = arith.constant 1 : i32
        %get3A_601 = arith.index_cast %get3A_599 : i32 to index
        %get3A_602 = arith.index_cast %get3A_600 : i32 to index
        %get3A_603 = arith.index_cast %scan3A_267 : i32 to index
        %get3A_604 = arith.constant 80 : index
        %get3A_605 = tpu.vector_load %arg6[%get3A_601, %get3A_602, %get3A_603, %get3A_604] {strides = array<i32>} : memref<2x3x56x128xf32, #tpu.memory_space<vmem>>, vector<1x1x1x16xf32>,
        %get3A_606 = vector.shape_cast %get3A_605 : vector<1x1x1x16xf32> to vector<16xf32>
        %get3A_607 = arith.constant 0 : i32
        %get3A_608 = arith.constant 2 : i32
        %get3A_609 = arith.index_cast %get3A_607 : i32 to index
        %get3A_610 = arith.index_cast %get3A_608 : i32 to index
        %get3A_611 = arith.index_cast %scan3A_267 : i32 to index
        %get3A_612 = arith.constant 80 : index
        %get3A_613 = tpu.vector_load %arg6[%get3A_609, %get3A_610, %get3A_611, %get3A_612] {strides = array<i32>} : memref<2x3x56x128xf32, #tpu.memory_space<vmem>>, vector<1x1x1x16xf32>,
        %get3A_614 = vector.shape_cast %get3A_613 : vector<1x1x1x16xf32> to vector<16xf32>
        %mul3A_615 = arith.constant 2.990000e-01 : f32
        %mul3A_616 = vector.broadcast %mul3A_615 : f32 to vector<16xf32>
        %mul3A_617 = arith.mulf %get3A_598, %mul3A_616 : vector<16xf32>
        %mul3A_618 = arith.constant 5.870000e-01 : f32
        %mul3A_619 = vector.broadcast %mul3A_618 : f32 to vector<16xf32>
        %mul3A_620 = arith.mulf %get3A_606, %mul3A_619 : vector<16xf32>
        %add3A_621 = arith.addf %mul3A_617, %mul3A_620 : vector<16xf32>
        %mul3A_622 = arith.constant 1.140000e-01 : f32
        %mul3A_623 = vector.broadcast %mul3A_622 : f32 to vector<16xf32>
        %mul3A_624 = arith.mulf %get3A_614, %mul3A_623 : vector<16xf32>
        %add3A_625 = arith.addf %add3A_621, %mul3A_624 : vector<16xf32>
        %select_n3A_626 = arith.select %gt3A_36, %add3A_625, %get3A_598 : vector<16xi1>, vector<16xf32>
        %swap3A_627 = arith.constant 0 : i32
        %swap3A_628 = arith.constant 0 : i32
        %swap3A_629 = arith.index_cast %swap3A_627 : i32 to index
        %swap3A_630 = arith.index_cast %swap3A_628 : i32 to index
        %swap3A_631 = arith.index_cast %scan3A_267 : i32 to index
        %swap3A_632 = arith.constant 80 : index
        %swap3A_633 = tpu.vector_load %arg7[%swap3A_629, %swap3A_630, %swap3A_631, %swap3A_632] {strides = array<i32>} : memref<2x3x56x128xf32, #tpu.memory_space<vmem>>, vector<1x1x1x16xf32>,
        %swap3A_634 = vector.shape_cast %swap3A_633 : vector<1x1x1x16xf32> to vector<16xf32>
        %swap3A_635 = vector.shape_cast %select_n3A_626 : vector<16xf32> to vector<1x1x1x16xf32>
        tpu.vector_store %arg7[%swap3A_629, %swap3A_630, %swap3A_631, %swap3A_632], %swap3A_635 {strides = array<i32>} : memref<2x3x56x128xf32, #tpu.memory_space<vmem>>, vector<1x1x1x16xf32>,
        %select_n3A_636 = arith.select %gt3A_36, %add3A_625, %get3A_606 : vector<16xi1>, vector<16xf32>
        %swap3A_637 = arith.constant 0 : i32
        %swap3A_638 = arith.constant 1 : i32
        %swap3A_639 = arith.index_cast %swap3A_637 : i32 to index
        %swap3A_640 = arith.index_cast %swap3A_638 : i32 to index
        %swap3A_641 = arith.index_cast %scan3A_267 : i32 to index
        %swap3A_642 = arith.constant 80 : index
        %swap3A_643 = tpu.vector_load %arg7[%swap3A_639, %swap3A_640, %swap3A_641, %swap3A_642] {strides = array<i32>} : memref<2x3x56x128xf32, #tpu.memory_space<vmem>>, vector<1x1x1x16xf32>,
        %swap3A_644 = vector.shape_cast %swap3A_643 : vector<1x1x1x16xf32> to vector<16xf32>
        %swap3A_645 = vector.shape_cast %select_n3A_636 : vector<16xf32> to vector<1x1x1x16xf32>
        tpu.vector_store %arg7[%swap3A_639, %swap3A_640, %swap3A_641, %swap3A_642], %swap3A_645 {strides = array<i32>} : memref<2x3x56x128xf32, #tpu.memory_space<vmem>>, vector<1x1x1x16xf32>,
        %select_n3A_646 = arith.select %gt3A_36, %add3A_625, %get3A_614 : vector<16xi1>, vector<16xf32>
        %swap3A_647 = arith.constant 0 : i32
        %swap3A_648 = arith.constant 2 : i32
        %swap3A_649 = arith.index_cast %swap3A_647 : i32 to index
        %swap3A_650 = arith.index_cast %swap3A_648 : i32 to index
        %swap3A_651 = arith.index_cast %scan3A_267 : i32 to index
        %swap3A_652 = arith.constant 80 : index
        %swap3A_653 = tpu.vector_load %arg7[%swap3A_649, %swap3A_650, %swap3A_651, %swap3A_652] {strides = array<i32>} : memref<2x3x56x128xf32, #tpu.memory_space<vmem>>, vector<1x1x1x16xf32>,
        %swap3A_654 = vector.shape_cast %swap3A_653 : vector<1x1x1x16xf32> to vector<16xf32>
        %swap3A_655 = vector.shape_cast %select_n3A_646 : vector<16xf32> to vector<1x1x1x16xf32>
        tpu.vector_store %arg7[%swap3A_649, %swap3A_650, %swap3A_651, %swap3A_652], %swap3A_655 {strides = array<i32>} : memref<2x3x56x128xf32, #tpu.memory_space<vmem>>, vector<1x1x1x16xf32>,
        %get3A_656 = arith.constant 0 : i32
        %get3A_657 = arith.constant 0 : i32
        %get3A_658 = arith.index_cast %get3A_656 : i32 to index
        %get3A_659 = arith.index_cast %get3A_657 : i32 to index
        %get3A_660 = arith.index_cast %scan3A_267 : i32 to index
        %get3A_661 = arith.constant 96 : index
        %get3A_662 = tpu.vector_load %arg6[%get3A_658, %get3A_659, %get3A_660, %get3A_661] {strides = array<i32>} : memref<2x3x56x128xf32, #tpu.memory_space<vmem>>, vector<1x1x1x16xf32>,
        %get3A_663 = vector.shape_cast %get3A_662 : vector<1x1x1x16xf32> to vector<16xf32>
        %get3A_664 = arith.constant 0 : i32
        %get3A_665 = arith.constant 1 : i32
        %get3A_666 = arith.index_cast %get3A_664 : i32 to index
        %get3A_667 = arith.index_cast %get3A_665 : i32 to index
        %get3A_668 = arith.index_cast %scan3A_267 : i32 to index
        %get3A_669 = arith.constant 96 : index
        %get3A_670 = tpu.vector_load %arg6[%get3A_666, %get3A_667, %get3A_668, %get3A_669] {strides = array<i32>} : memref<2x3x56x128xf32, #tpu.memory_space<vmem>>, vector<1x1x1x16xf32>,
        %get3A_671 = vector.shape_cast %get3A_670 : vector<1x1x1x16xf32> to vector<16xf32>
        %get3A_672 = arith.constant 0 : i32
        %get3A_673 = arith.constant 2 : i32
        %get3A_674 = arith.index_cast %get3A_672 : i32 to index
        %get3A_675 = arith.index_cast %get3A_673 : i32 to index
        %get3A_676 = arith.index_cast %scan3A_267 : i32 to index
        %get3A_677 = arith.constant 96 : index
        %get3A_678 = tpu.vector_load %arg6[%get3A_674, %get3A_675, %get3A_676, %get3A_677] {strides = array<i32>} : memref<2x3x56x128xf32, #tpu.memory_space<vmem>>, vector<1x1x1x16xf32>,
        %get3A_679 = vector.shape_cast %get3A_678 : vector<1x1x1x16xf32> to vector<16xf32>
        %mul3A_680 = arith.constant 2.990000e-01 : f32
        %mul3A_681 = vector.broadcast %mul3A_680 : f32 to vector<16xf32>
        %mul3A_682 = arith.mulf %get3A_663, %mul3A_681 : vector<16xf32>
        %mul3A_683 = arith.constant 5.870000e-01 : f32
        %mul3A_684 = vector.broadcast %mul3A_683 : f32 to vector<16xf32>
        %mul3A_685 = arith.mulf %get3A_671, %mul3A_684 : vector<16xf32>
        %add3A_686 = arith.addf %mul3A_682, %mul3A_685 : vector<16xf32>
        %mul3A_687 = arith.constant 1.140000e-01 : f32
        %mul3A_688 = vector.broadcast %mul3A_687 : f32 to vector<16xf32>
        %mul3A_689 = arith.mulf %get3A_679, %mul3A_688 : vector<16xf32>
        %add3A_690 = arith.addf %add3A_686, %mul3A_689 : vector<16xf32>
        %select_n3A_691 = arith.select %gt3A_42, %add3A_690, %get3A_663 : vector<16xi1>, vector<16xf32>
        %swap3A_692 = arith.constant 0 : i32
        %swap3A_693 = arith.constant 0 : i32
        %swap3A_694 = arith.index_cast %swap3A_692 : i32 to index
        %swap3A_695 = arith.index_cast %swap3A_693 : i32 to index
        %swap3A_696 = arith.index_cast %scan3A_267 : i32 to index
        %swap3A_697 = arith.constant 96 : index
        %swap3A_698 = tpu.vector_load %arg7[%swap3A_694, %swap3A_695, %swap3A_696, %swap3A_697] {strides = array<i32>} : memref<2x3x56x128xf32, #tpu.memory_space<vmem>>, vector<1x1x1x16xf32>,
        %swap3A_699 = vector.shape_cast %swap3A_698 : vector<1x1x1x16xf32> to vector<16xf32>
        %swap3A_700 = vector.shape_cast %select_n3A_691 : vector<16xf32> to vector<1x1x1x16xf32>
        tpu.vector_store %arg7[%swap3A_694, %swap3A_695, %swap3A_696, %swap3A_697], %swap3A_700 {strides = array<i32>} : memref<2x3x56x128xf32, #tpu.memory_space<vmem>>, vector<1x1x1x16xf32>,
        %select_n3A_701 = arith.select %gt3A_42, %add3A_690, %get3A_671 : vector<16xi1>, vector<16xf32>
        %swap3A_702 = arith.constant 0 : i32
        %swap3A_703 = arith.constant 1 : i32
        %swap3A_704 = arith.index_cast %swap3A_702 : i32 to index
        %swap3A_705 = arith.index_cast %swap3A_703 : i32 to index
        %swap3A_706 = arith.index_cast %scan3A_267 : i32 to index
        %swap3A_707 = arith.constant 96 : index
        %swap3A_708 = tpu.vector_load %arg7[%swap3A_704, %swap3A_705, %swap3A_706, %swap3A_707] {strides = array<i32>} : memref<2x3x56x128xf32, #tpu.memory_space<vmem>>, vector<1x1x1x16xf32>,
        %swap3A_709 = vector.shape_cast %swap3A_708 : vector<1x1x1x16xf32> to vector<16xf32>
        %swap3A_710 = vector.shape_cast %select_n3A_701 : vector<16xf32> to vector<1x1x1x16xf32>
        tpu.vector_store %arg7[%swap3A_704, %swap3A_705, %swap3A_706, %swap3A_707], %swap3A_710 {strides = array<i32>} : memref<2x3x56x128xf32, #tpu.memory_space<vmem>>, vector<1x1x1x16xf32>,
        %select_n3A_711 = arith.select %gt3A_42, %add3A_690, %get3A_679 : vector<16xi1>, vector<16xf32>
        %swap3A_712 = arith.constant 0 : i32
        %swap3A_713 = arith.constant 2 : i32
        %swap3A_714 = arith.index_cast %swap3A_712 : i32 to index
        %swap3A_715 = arith.index_cast %swap3A_713 : i32 to index
        %swap3A_716 = arith.index_cast %scan3A_267 : i32 to index
        %swap3A_717 = arith.constant 96 : index
        %swap3A_718 = tpu.vector_load %arg7[%swap3A_714, %swap3A_715, %swap3A_716, %swap3A_717] {strides = array<i32>} : memref<2x3x56x128xf32, #tpu.memory_space<vmem>>, vector<1x1x1x16xf32>,
        %swap3A_719 = vector.shape_cast %swap3A_718 : vector<1x1x1x16xf32> to vector<16xf32>
        %swap3A_720 = vector.shape_cast %select_n3A_711 : vector<16xf32> to vector<1x1x1x16xf32>
        tpu.vector_store %arg7[%swap3A_714, %swap3A_715, %swap3A_716, %swap3A_717], %swap3A_720 {strides = array<i32>} : memref<2x3x56x128xf32, #tpu.memory_space<vmem>>, vector<1x1x1x16xf32>,
        %get3A_721 = arith.constant 0 : i32
        %get3A_722 = arith.constant 0 : i32
        %get3A_723 = arith.index_cast %get3A_721 : i32 to index
        %get3A_724 = arith.index_cast %get3A_722 : i32 to index
        %get3A_725 = arith.index_cast %scan3A_267 : i32 to index
        %get3A_726 = arith.constant 112 : index
        %get3A_727 = tpu.vector_load %arg6[%get3A_723, %get3A_724, %get3A_725, %get3A_726] {strides = array<i32>} : memref<2x3x56x128xf32, #tpu.memory_space<vmem>>, vector<1x1x1x16xf32>,
        %get3A_728 = vector.shape_cast %get3A_727 : vector<1x1x1x16xf32> to vector<16xf32>
        %get3A_729 = arith.constant 0 : i32
        %get3A_730 = arith.constant 1 : i32
        %get3A_731 = arith.index_cast %get3A_729 : i32 to index
        %get3A_732 = arith.index_cast %get3A_730 : i32 to index
        %get3A_733 = arith.index_cast %scan3A_267 : i32 to index
        %get3A_734 = arith.constant 112 : index
        %get3A_735 = tpu.vector_load %arg6[%get3A_731, %get3A_732, %get3A_733, %get3A_734] {strides = array<i32>} : memref<2x3x56x128xf32, #tpu.memory_space<vmem>>, vector<1x1x1x16xf32>,
        %get3A_736 = vector.shape_cast %get3A_735 : vector<1x1x1x16xf32> to vector<16xf32>
        %get3A_737 = arith.constant 0 : i32
        %get3A_738 = arith.constant 2 : i32
        %get3A_739 = arith.index_cast %get3A_737 : i32 to index
        %get3A_740 = arith.index_cast %get3A_738 : i32 to index
        %get3A_741 = arith.index_cast %scan3A_267 : i32 to index
        %get3A_742 = arith.constant 112 : index
        %get3A_743 = tpu.vector_load %arg6[%get3A_739, %get3A_740, %get3A_741, %get3A_742] {strides = array<i32>} : memref<2x3x56x128xf32, #tpu.memory_space<vmem>>, vector<1x1x1x16xf32>,
        %get3A_744 = vector.shape_cast %get3A_743 : vector<1x1x1x16xf32> to vector<16xf32>
        %mul3A_745 = arith.constant 2.990000e-01 : f32
        %mul3A_746 = vector.broadcast %mul3A_745 : f32 to vector<16xf32>
        %mul3A_747 = arith.mulf %get3A_728, %mul3A_746 : vector<16xf32>
        %mul3A_748 = arith.constant 5.870000e-01 : f32
        %mul3A_749 = vector.broadcast %mul3A_748 : f32 to vector<16xf32>
        %mul3A_750 = arith.mulf %get3A_736, %mul3A_749 : vector<16xf32>
        %add3A_751 = arith.addf %mul3A_747, %mul3A_750 : vector<16xf32>
        %mul3A_752 = arith.constant 1.140000e-01 : f32
        %mul3A_753 = vector.broadcast %mul3A_752 : f32 to vector<16xf32>
        %mul3A_754 = arith.mulf %get3A_744, %mul3A_753 : vector<16xf32>
        %add3A_755 = arith.addf %add3A_751, %mul3A_754 : vector<16xf32>
        %select_n3A_756 = arith.select %gt3A_48, %add3A_755, %get3A_728 : vector<16xi1>, vector<16xf32>
        %swap3A_757 = arith.constant 0 : i32
        %swap3A_758 = arith.constant 0 : i32
        %swap3A_759 = arith.index_cast %swap3A_757 : i32 to index
        %swap3A_760 = arith.index_cast %swap3A_758 : i32 to index
        %swap3A_761 = arith.index_cast %scan3A_267 : i32 to index
        %swap3A_762 = arith.constant 112 : index
        %swap3A_763 = tpu.vector_load %arg7[%swap3A_759, %swap3A_760, %swap3A_761, %swap3A_762] {strides = array<i32>} : memref<2x3x56x128xf32, #tpu.memory_space<vmem>>, vector<1x1x1x16xf32>,
        %swap3A_764 = vector.shape_cast %swap3A_763 : vector<1x1x1x16xf32> to vector<16xf32>
        %swap3A_765 = vector.shape_cast %select_n3A_756 : vector<16xf32> to vector<1x1x1x16xf32>
        tpu.vector_store %arg7[%swap3A_759, %swap3A_760, %swap3A_761, %swap3A_762], %swap3A_765 {strides = array<i32>} : memref<2x3x56x128xf32, #tpu.memory_space<vmem>>, vector<1x1x1x16xf32>,
        %select_n3A_766 = arith.select %gt3A_48, %add3A_755, %get3A_736 : vector<16xi1>, vector<16xf32>
        %swap3A_767 = arith.constant 0 : i32
        %swap3A_768 = arith.constant 1 : i32
        %swap3A_769 = arith.index_cast %swap3A_767 : i32 to index
        %swap3A_770 = arith.index_cast %swap3A_768 : i32 to index
        %swap3A_771 = arith.index_cast %scan3A_267 : i32 to index
        %swap3A_772 = arith.constant 112 : index
        %swap3A_773 = tpu.vector_load %arg7[%swap3A_769, %swap3A_770, %swap3A_771, %swap3A_772] {strides = array<i32>} : memref<2x3x56x128xf32, #tpu.memory_space<vmem>>, vector<1x1x1x16xf32>,
        %swap3A_774 = vector.shape_cast %swap3A_773 : vector<1x1x1x16xf32> to vector<16xf32>
        %swap3A_775 = vector.shape_cast %select_n3A_766 : vector<16xf32> to vector<1x1x1x16xf32>
        tpu.vector_store %arg7[%swap3A_769, %swap3A_770, %swap3A_771, %swap3A_772], %swap3A_775 {strides = array<i32>} : memref<2x3x56x128xf32, #tpu.memory_space<vmem>>, vector<1x1x1x16xf32>,
        %select_n3A_776 = arith.select %gt3A_48, %add3A_755, %get3A_744 : vector<16xi1>, vector<16xf32>
        %swap3A_777 = arith.constant 0 : i32
        %swap3A_778 = arith.constant 2 : i32
        %swap3A_779 = arith.index_cast %swap3A_777 : i32 to index
        %swap3A_780 = arith.index_cast %swap3A_778 : i32 to index
        %swap3A_781 = arith.index_cast %scan3A_267 : i32 to index
        %swap3A_782 = arith.constant 112 : index
        %swap3A_783 = tpu.vector_load %arg7[%swap3A_779, %swap3A_780, %swap3A_781, %swap3A_782] {strides = array<i32>} : memref<2x3x56x128xf32, #tpu.memory_space<vmem>>, vector<1x1x1x16xf32>,
        %swap3A_784 = vector.shape_cast %swap3A_783 : vector<1x1x1x16xf32> to vector<16xf32>
        %swap3A_785 = vector.shape_cast %select_n3A_776 : vector<16xf32> to vector<1x1x1x16xf32>
        tpu.vector_store %arg7[%swap3A_779, %swap3A_780, %swap3A_781, %swap3A_782], %swap3A_785 {strides = array<i32>} : memref<2x3x56x128xf32, #tpu.memory_space<vmem>>, vector<1x1x1x16xf32>,
      }
      %scan3A_175 = arith.constant 56 : i32
      %dma_start3A_176 = arith.constant 0 : i32
      %dma_start3A_177 = arith.constant 0 : i32
      %dma_start3A_178 = arith.constant 0 : i32
      %dma_start3A_179 = arith.constant 0 : i32
      %dma_start3A_180 = arith.constant 0 : i32
      %dma_start3A_181 = tpu.memref_slice %arg7[%dma_start3A_176, %dma_start3A_178, %dma_start3A_179, %dma_start3A_180] : memref<2x3x56x128xf32, #tpu.memory_space<vmem>> -> memref<1x3x56x128xf32, #tpu.memory_space<vmem>>
      %dma_start3A_182 = tpu.memref_squeeze %dma_start3A_181 : memref<1x3x56x128xf32, #tpu.memory_space<vmem>> -> memref<3x56x128xf32, #tpu.memory_space<vmem>>
      %dma_start3A_183 = arith.constant 0 : i32
      %dma_start3A_184 = arith.constant 0 : i32
      %dma_start3A_185 = tpu.memref_slice %arg4[%dma_start3A_183, %add3A_147, %dma_start3A_184] : memref<3x50176x128xf32, #tpu.memory_space<hbm>> -> memref<3x56x128xf32, #tpu.memory_space<hbm>>
      %dma_start3A_186 = tpu.memref_slice %arg9[%dma_start3A_177] : memref<2x!tpu.dma_semaphore, #tpu.memory_space<semaphore_mem>> -> memref<1x!tpu.dma_semaphore, #tpu.memory_space<semaphore_mem>>
      %dma_start3A_187 = tpu.memref_squeeze %dma_start3A_186 : memref<1x!tpu.dma_semaphore, #tpu.memory_space<semaphore_mem>> -> memref<!tpu.dma_semaphore, #tpu.memory_space<semaphore_mem>>
      %dma_start3A_188 = arith.constant 0 : i32
      %dma_start3A_189 = arith.constant 0 : i32
      %dma_start3A_190 = tpu.memref_slice %arg4[%dma_start3A_188, %add3A_147, %dma_start3A_189] : memref<3x50176x128xf32, #tpu.memory_space<hbm>> -> memref<3x56x128xf32, #tpu.memory_space<hbm>>
      %dma_start3A_191 = arith.constant 0 : i32
      %dma_start3A_192 = arith.constant 0 : i32
      %dma_start3A_193 = arith.constant 0 : i32
      %dma_start3A_194 = tpu.memref_slice %arg7[%dma_start3A_176, %dma_start3A_191, %dma_start3A_192, %dma_start3A_193] : memref<2x3x56x128xf32, #tpu.memory_space<vmem>> -> memref<1x3x56x128xf32, #tpu.memory_space<vmem>>
      %dma_start3A_195 = tpu.memref_squeeze %dma_start3A_194 : memref<1x3x56x128xf32, #tpu.memory_space<vmem>> -> memref<3x56x128xf32, #tpu.memory_space<vmem>>
      tpu.enqueue_dma source(%dma_start3A_195 : memref<3x56x128xf32, #tpu.memory_space<vmem>>) target(%dma_start3A_190 : memref<3x56x128xf32, #tpu.memory_space<hbm>>) target_semaphore(%dma_start3A_187 : memref<!tpu.dma_semaphore, #tpu.memory_space<semaphore_mem>>)
      %add3A_196 = arith.constant 2 : i32
      %add3A_197 = arith.addi %add3A_144, %add3A_196 : i32
      %lt3A = arith.constant 28 : i32
      %lt3A_198 = arith.cmpi slt, %add3A_197, %lt3A : i32
      %convert_element_type3A_199 = arith.extui %lt3A_198 : i1 to i32
      %cond3A_200 = arith.constant 0 : i32
      %cond3A_201 = arith.cmpi ne, %convert_element_type3A_199, %cond3A_200 : i32
      scf.if %cond3A_201 {
        %add3A_267 = arith.constant 2 : i32
        %add3A_268 = arith.addi %add3A_144, %add3A_267 : i32
        %mul3A_269 = arith.constant 56 : i32
        %mul3A_270 = arith.muli %add3A_268, %mul3A_269 : i32
        %add3A_271 = arith.addi %mul3A_2, %mul3A_270 : i32
        %dma_start3A_272 = arith.constant 0 : i32
        %dma_start3A_273 = arith.constant 0 : i32
        %dma_start3A_274 = arith.constant 0 : i32
        %dma_start3A_275 = arith.constant 0 : i32
        %dma_start3A_276 = arith.constant 0 : i32
        %dma_start3A_277 = tpu.memref_slice %arg6[%dma_start3A_272, %dma_start3A_274, %dma_start3A_275, %dma_start3A_276] : memref<2x3x56x128xf32, #tpu.memory_space<vmem>> -> memref<1x3x56x128xf32, #tpu.memory_space<vmem>>
        %dma_start3A_278 = tpu.memref_squeeze %dma_start3A_277 : memref<1x3x56x128xf32, #tpu.memory_space<vmem>> -> memref<3x56x128xf32, #tpu.memory_space<vmem>>
        %dma_start3A_279 = arith.constant 0 : i32
        %dma_start3A_280 = arith.constant 0 : i32
        %dma_start3A_281 = tpu.memref_slice %arg2[%dma_start3A_279, %add3A_271, %dma_start3A_280] : memref<3x50176x128xf32, #tpu.memory_space<hbm>> -> memref<3x56x128xf32, #tpu.memory_space<hbm>>
        %dma_start3A_282 = tpu.memref_slice %arg8[%dma_start3A_273] : memref<2x!tpu.dma_semaphore, #tpu.memory_space<semaphore_mem>> -> memref<1x!tpu.dma_semaphore, #tpu.memory_space<semaphore_mem>>
        %dma_start3A_283 = tpu.memref_squeeze %dma_start3A_282 : memref<1x!tpu.dma_semaphore, #tpu.memory_space<semaphore_mem>> -> memref<!tpu.dma_semaphore, #tpu.memory_space<semaphore_mem>>
        %dma_start3A_284 = arith.constant 0 : i32
        %dma_start3A_285 = arith.constant 0 : i32
        %dma_start3A_286 = arith.constant 0 : i32
        %dma_start3A_287 = tpu.memref_slice %arg6[%dma_start3A_272, %dma_start3A_284, %dma_start3A_285, %dma_start3A_286] : memref<2x3x56x128xf32, #tpu.memory_space<vmem>> -> memref<1x3x56x128xf32, #tpu.memory_space<vmem>>
        %dma_start3A_288 = tpu.memref_squeeze %dma_start3A_287 : memref<1x3x56x128xf32, #tpu.memory_space<vmem>> -> memref<3x56x128xf32, #tpu.memory_space<vmem>>
        %dma_start3A_289 = arith.constant 0 : i32
        %dma_start3A_290 = arith.constant 0 : i32
        %dma_start3A_291 = tpu.memref_slice %arg2[%dma_start3A_289, %add3A_271, %dma_start3A_290] : memref<3x50176x128xf32, #tpu.memory_space<hbm>> -> memref<3x56x128xf32, #tpu.memory_space<hbm>>
        tpu.enqueue_dma source(%dma_start3A_291 : memref<3x56x128xf32, #tpu.memory_space<hbm>>) target(%dma_start3A_288 : memref<3x56x128xf32, #tpu.memory_space<vmem>>) target_semaphore(%dma_start3A_283 : memref<!tpu.dma_semaphore, #tpu.memory_space<semaphore_mem>>)
      } else {
      }
      %mul3A_202 = arith.constant 2 : i32
      %mul3A_203 = arith.muli %scan3A_140, %mul3A_202 : i32
      %add3A_204 = arith.constant 1 : i32
      %add3A_205 = arith.addi %mul3A_203, %add3A_204 : i32
      %mul3A_206 = arith.constant 56 : i32
      %mul3A_207 = arith.muli %add3A_205, %mul3A_206 : i32
      %add3A_208 = arith.addi %mul3A_2, %mul3A_207 : i32
      %dma_wait3A_209 = arith.constant 1 : i32
      %dma_wait3A_210 = arith.constant 1 : i32
      %dma_wait3A_211 = arith.constant 0 : i32
      %dma_wait3A_212 = arith.constant 0 : i32
      %dma_wait3A_213 = arith.constant 0 : i32
      %dma_wait3A_214 = tpu.memref_slice %arg6[%dma_wait3A_209, %dma_wait3A_211, %dma_wait3A_212, %dma_wait3A_213] : memref<2x3x56x128xf32, #tpu.memory_space<vmem>> -> memref<1x3x56x128xf32, #tpu.memory_space<vmem>>
      %dma_wait3A_215 = tpu.memref_squeeze %dma_wait3A_214 : memref<1x3x56x128xf32, #tpu.memory_space<vmem>> -> memref<3x56x128xf32, #tpu.memory_space<vmem>>
      %dma_wait3A_216 = arith.constant 0 : i32
      %dma_wait3A_217 = arith.constant 0 : i32
      %dma_wait3A_218 = tpu.memref_slice %arg2[%dma_wait3A_216, %add3A_208, %dma_wait3A_217] : memref<3x50176x128xf32, #tpu.memory_space<hbm>> -> memref<3x56x128xf32, #tpu.memory_space<hbm>>
      %dma_wait3A_219 = tpu.memref_slice %arg8[%dma_wait3A_210] : memref<2x!tpu.dma_semaphore, #tpu.memory_space<semaphore_mem>> -> memref<1x!tpu.dma_semaphore, #tpu.memory_space<semaphore_mem>>
      %dma_wait3A_220 = tpu.memref_squeeze %dma_wait3A_219 : memref<1x!tpu.dma_semaphore, #tpu.memory_space<semaphore_mem>> -> memref<!tpu.dma_semaphore, #tpu.memory_space<semaphore_mem>>
      %dma_wait3A_221 = arith.constant 0 : i32
      %dma_wait3A_222 = arith.constant 0 : i32
      %dma_wait3A_223 = arith.constant 0 : i32
      %dma_wait3A_224 = tpu.memref_slice %arg6[%dma_wait3A_209, %dma_wait3A_221, %dma_wait3A_222, %dma_wait3A_223] : memref<2x3x56x128xf32, #tpu.memory_space<vmem>> -> memref<1x3x56x128xf32, #tpu.memory_space<vmem>>
      %dma_wait3A_225 = tpu.memref_squeeze %dma_wait3A_224 : memref<1x3x56x128xf32, #tpu.memory_space<vmem>> -> memref<3x56x128xf32, #tpu.memory_space<vmem>>
      %dma_wait3A_226 = arith.constant 0 : i32
      %dma_wait3A_227 = arith.constant 0 : i32
      %dma_wait3A_228 = tpu.memref_slice %arg2[%dma_wait3A_226, %add3A_208, %dma_wait3A_227] : memref<3x50176x128xf32, #tpu.memory_space<hbm>> -> memref<3x56x128xf32, #tpu.memory_space<hbm>>
      tpu.wait_dma2 semaphore(%dma_wait3A_220 : memref<!tpu.dma_semaphore, #tpu.memory_space<semaphore_mem>>) src(%dma_wait3A_228 : memref<3x56x128xf32, #tpu.memory_space<hbm>>) dst(%dma_wait3A_225 : memref<3x56x128xf32, #tpu.memory_space<vmem>>)
      %ge3A_229 = arith.constant 2 : i32
      %ge3A_230 = arith.cmpi sge, %add3A_205, %ge3A_229 : i32
      %convert_element_type3A_231 = arith.extui %ge3A_230 : i1 to i32
      %cond3A_232 = arith.constant 0 : i32
      %cond3A_233 = arith.cmpi ne, %convert_element_type3A_231, %cond3A_232 : i32
      scf.if %cond3A_233 {
        %sub3A = arith.constant 2 : i32
        %sub3A_267 = arith.subi %add3A_205, %sub3A : i32
        %mul3A_268 = arith.constant 56 : i32
        %mul3A_269 = arith.muli %sub3A_267, %mul3A_268 : i32
        %add3A_270 = arith.addi %mul3A_2, %mul3A_269 : i32
        %dma_wait3A_271 = arith.constant 1 : i32
        %dma_wait3A_272 = arith.constant 1 : i32
        %dma_wait3A_273 = arith.constant 0 : i32
        %dma_wait3A_274 = arith.constant 0 : i32
        %dma_wait3A_275 = arith.constant 0 : i32
        %dma_wait3A_276 = tpu.memref_slice %arg7[%dma_wait3A_271, %dma_wait3A_273, %dma_wait3A_274, %dma_wait3A_275] : memref<2x3x56x128xf32, #tpu.memory_space<vmem>> -> memref<1x3x56x128xf32, #tpu.memory_space<vmem>>
        %dma_wait3A_277 = tpu.memref_squeeze %dma_wait3A_276 : memref<1x3x56x128xf32, #tpu.memory_space<vmem>> -> memref<3x56x128xf32, #tpu.memory_space<vmem>>
        %dma_wait3A_278 = arith.constant 0 : i32
        %dma_wait3A_279 = arith.constant 0 : i32
        %dma_wait3A_280 = tpu.memref_slice %arg4[%dma_wait3A_278, %add3A_270, %dma_wait3A_279] : memref<3x50176x128xf32, #tpu.memory_space<hbm>> -> memref<3x56x128xf32, #tpu.memory_space<hbm>>
        %dma_wait3A_281 = tpu.memref_slice %arg9[%dma_wait3A_272] : memref<2x!tpu.dma_semaphore, #tpu.memory_space<semaphore_mem>> -> memref<1x!tpu.dma_semaphore, #tpu.memory_space<semaphore_mem>>
        %dma_wait3A_282 = tpu.memref_squeeze %dma_wait3A_281 : memref<1x!tpu.dma_semaphore, #tpu.memory_space<semaphore_mem>> -> memref<!tpu.dma_semaphore, #tpu.memory_space<semaphore_mem>>
        %dma_wait3A_283 = arith.constant 0 : i32
        %dma_wait3A_284 = arith.constant 0 : i32
        %dma_wait3A_285 = tpu.memref_slice %arg4[%dma_wait3A_283, %add3A_270, %dma_wait3A_284] : memref<3x50176x128xf32, #tpu.memory_space<hbm>> -> memref<3x56x128xf32, #tpu.memory_space<hbm>>
        %dma_wait3A_286 = arith.constant 0 : i32
        %dma_wait3A_287 = arith.constant 0 : i32
        %dma_wait3A_288 = arith.constant 0 : i32
        %dma_wait3A_289 = tpu.memref_slice %arg7[%dma_wait3A_271, %dma_wait3A_286, %dma_wait3A_287, %dma_wait3A_288] : memref<2x3x56x128xf32, #tpu.memory_space<vmem>> -> memref<1x3x56x128xf32, #tpu.memory_space<vmem>>
        %dma_wait3A_290 = tpu.memref_squeeze %dma_wait3A_289 : memref<1x3x56x128xf32, #tpu.memory_space<vmem>> -> memref<3x56x128xf32, #tpu.memory_space<vmem>>
        tpu.wait_dma2 semaphore(%dma_wait3A_282 : memref<!tpu.dma_semaphore, #tpu.memory_space<semaphore_mem>>) src(%dma_wait3A_290 : memref<3x56x128xf32, #tpu.memory_space<vmem>>) dst(%dma_wait3A_285 : memref<3x56x128xf32, #tpu.memory_space<hbm>>)
      } else {
      }
      %scan3A_234 = arith.constant 0 : i32
      %scan3A_235 = arith.constant 0 : i32
      %scan3A_236 = arith.constant 56 : i32
      %scan3A_237 = arith.addi %scan3A_235, %scan3A_236 : i32
      %scan3A_238 = arith.constant 1 : i32
      scf.for %scan3A_267 = %scan3A_235 to %scan3A_237 step %scan3A_238  : i32 {
        %get3A_268 = arith.constant 1 : i32
        %get3A_269 = arith.constant 0 : i32
        %get3A_270 = arith.index_cast %get3A_268 : i32 to index
        %get3A_271 = arith.index_cast %get3A_269 : i32 to index
        %get3A_272 = arith.index_cast %scan3A_267 : i32 to index
        %get3A_273 = arith.constant 0 : index
        %get3A_274 = tpu.vector_load %arg6[%get3A_270, %get3A_271, %get3A_272, %get3A_273] {strides = array<i32>} : memref<2x3x56x128xf32, #tpu.memory_space<vmem>>, vector<1x1x1x16xf32>,
        %get3A_275 = vector.shape_cast %get3A_274 : vector<1x1x1x16xf32> to vector<16xf32>
        %get3A_276 = arith.constant 1 : i32
        %get3A_277 = arith.constant 1 : i32
        %get3A_278 = arith.index_cast %get3A_276 : i32 to index
        %get3A_279 = arith.index_cast %get3A_277 : i32 to index
        %get3A_280 = arith.index_cast %scan3A_267 : i32 to index
        %get3A_281 = arith.constant 0 : index
        %get3A_282 = tpu.vector_load %arg6[%get3A_278, %get3A_279, %get3A_280, %get3A_281] {strides = array<i32>} : memref<2x3x56x128xf32, #tpu.memory_space<vmem>>, vector<1x1x1x16xf32>,
        %get3A_283 = vector.shape_cast %get3A_282 : vector<1x1x1x16xf32> to vector<16xf32>
        %get3A_284 = arith.constant 1 : i32
        %get3A_285 = arith.constant 2 : i32
        %get3A_286 = arith.index_cast %get3A_284 : i32 to index
        %get3A_287 = arith.index_cast %get3A_285 : i32 to index
        %get3A_288 = arith.index_cast %scan3A_267 : i32 to index
        %get3A_289 = arith.constant 0 : index
        %get3A_290 = tpu.vector_load %arg6[%get3A_286, %get3A_287, %get3A_288, %get3A_289] {strides = array<i32>} : memref<2x3x56x128xf32, #tpu.memory_space<vmem>>, vector<1x1x1x16xf32>,
        %get3A_291 = vector.shape_cast %get3A_290 : vector<1x1x1x16xf32> to vector<16xf32>
        %mul3A_292 = arith.constant 2.990000e-01 : f32
        %mul3A_293 = vector.broadcast %mul3A_292 : f32 to vector<16xf32>
        %mul3A_294 = arith.mulf %get3A_275, %mul3A_293 : vector<16xf32>
        %mul3A_295 = arith.constant 5.870000e-01 : f32
        %mul3A_296 = vector.broadcast %mul3A_295 : f32 to vector<16xf32>
        %mul3A_297 = arith.mulf %get3A_283, %mul3A_296 : vector<16xf32>
        %add3A_298 = arith.addf %mul3A_294, %mul3A_297 : vector<16xf32>
        %mul3A_299 = arith.constant 1.140000e-01 : f32
        %mul3A_300 = vector.broadcast %mul3A_299 : f32 to vector<16xf32>
        %mul3A_301 = arith.mulf %get3A_291, %mul3A_300 : vector<16xf32>
        %add3A_302 = arith.addf %add3A_298, %mul3A_301 : vector<16xf32>
        %select_n3A = arith.select %gt3A_6, %add3A_302, %get3A_275 : vector<16xi1>, vector<16xf32>
        %swap3A = arith.constant 1 : i32
        %swap3A_303 = arith.constant 0 : i32
        %swap3A_304 = arith.index_cast %swap3A : i32 to index
        %swap3A_305 = arith.index_cast %swap3A_303 : i32 to index
        %swap3A_306 = arith.index_cast %scan3A_267 : i32 to index
        %swap3A_307 = arith.constant 0 : index
        %swap3A_308 = tpu.vector_load %arg7[%swap3A_304, %swap3A_305, %swap3A_306, %swap3A_307] {strides = array<i32>} : memref<2x3x56x128xf32, #tpu.memory_space<vmem>>, vector<1x1x1x16xf32>,
        %swap3A_309 = vector.shape_cast %swap3A_308 : vector<1x1x1x16xf32> to vector<16xf32>
        %swap3A_310 = vector.shape_cast %select_n3A : vector<16xf32> to vector<1x1x1x16xf32>
        tpu.vector_store %arg7[%swap3A_304, %swap3A_305, %swap3A_306, %swap3A_307], %swap3A_310 {strides = array<i32>} : memref<2x3x56x128xf32, #tpu.memory_space<vmem>>, vector<1x1x1x16xf32>,
        %select_n3A_311 = arith.select %gt3A_6, %add3A_302, %get3A_283 : vector<16xi1>, vector<16xf32>
        %swap3A_312 = arith.constant 1 : i32
        %swap3A_313 = arith.constant 1 : i32
        %swap3A_314 = arith.index_cast %swap3A_312 : i32 to index
        %swap3A_315 = arith.index_cast %swap3A_313 : i32 to index
        %swap3A_316 = arith.index_cast %scan3A_267 : i32 to index
        %swap3A_317 = arith.constant 0 : index
        %swap3A_318 = tpu.vector_load %arg7[%swap3A_314, %swap3A_315, %swap3A_316, %swap3A_317] {strides = array<i32>} : memref<2x3x56x128xf32, #tpu.memory_space<vmem>>, vector<1x1x1x16xf32>,
        %swap3A_319 = vector.shape_cast %swap3A_318 : vector<1x1x1x16xf32> to vector<16xf32>
        %swap3A_320 = vector.shape_cast %select_n3A_311 : vector<16xf32> to vector<1x1x1x16xf32>
        tpu.vector_store %arg7[%swap3A_314, %swap3A_315, %swap3A_316, %swap3A_317], %swap3A_320 {strides = array<i32>} : memref<2x3x56x128xf32, #tpu.memory_space<vmem>>, vector<1x1x1x16xf32>,
        %select_n3A_321 = arith.select %gt3A_6, %add3A_302, %get3A_291 : vector<16xi1>, vector<16xf32>
        %swap3A_322 = arith.constant 1 : i32
        %swap3A_323 = arith.constant 2 : i32
        %swap3A_324 = arith.index_cast %swap3A_322 : i32 to index
        %swap3A_325 = arith.index_cast %swap3A_323 : i32 to index
        %swap3A_326 = arith.index_cast %scan3A_267 : i32 to index
        %swap3A_327 = arith.constant 0 : index
        %swap3A_328 = tpu.vector_load %arg7[%swap3A_324, %swap3A_325, %swap3A_326, %swap3A_327] {strides = array<i32>} : memref<2x3x56x128xf32, #tpu.memory_space<vmem>>, vector<1x1x1x16xf32>,
        %swap3A_329 = vector.shape_cast %swap3A_328 : vector<1x1x1x16xf32> to vector<16xf32>
        %swap3A_330 = vector.shape_cast %select_n3A_321 : vector<16xf32> to vector<1x1x1x16xf32>
        tpu.vector_store %arg7[%swap3A_324, %swap3A_325, %swap3A_326, %swap3A_327], %swap3A_330 {strides = array<i32>} : memref<2x3x56x128xf32, #tpu.memory_space<vmem>>, vector<1x1x1x16xf32>,
        %get3A_331 = arith.constant 1 : i32
        %get3A_332 = arith.constant 0 : i32
        %get3A_333 = arith.index_cast %get3A_331 : i32 to index
        %get3A_334 = arith.index_cast %get3A_332 : i32 to index
        %get3A_335 = arith.index_cast %scan3A_267 : i32 to index
        %get3A_336 = arith.constant 16 : index
        %get3A_337 = tpu.vector_load %arg6[%get3A_333, %get3A_334, %get3A_335, %get3A_336] {strides = array<i32>} : memref<2x3x56x128xf32, #tpu.memory_space<vmem>>, vector<1x1x1x16xf32>,
        %get3A_338 = vector.shape_cast %get3A_337 : vector<1x1x1x16xf32> to vector<16xf32>
        %get3A_339 = arith.constant 1 : i32
        %get3A_340 = arith.constant 1 : i32
        %get3A_341 = arith.index_cast %get3A_339 : i32 to index
        %get3A_342 = arith.index_cast %get3A_340 : i32 to index
        %get3A_343 = arith.index_cast %scan3A_267 : i32 to index
        %get3A_344 = arith.constant 16 : index
        %get3A_345 = tpu.vector_load %arg6[%get3A_341, %get3A_342, %get3A_343, %get3A_344] {strides = array<i32>} : memref<2x3x56x128xf32, #tpu.memory_space<vmem>>, vector<1x1x1x16xf32>,
        %get3A_346 = vector.shape_cast %get3A_345 : vector<1x1x1x16xf32> to vector<16xf32>
        %get3A_347 = arith.constant 1 : i32
        %get3A_348 = arith.constant 2 : i32
        %get3A_349 = arith.index_cast %get3A_347 : i32 to index
        %get3A_350 = arith.index_cast %get3A_348 : i32 to index
        %get3A_351 = arith.index_cast %scan3A_267 : i32 to index
        %get3A_352 = arith.constant 16 : index
        %get3A_353 = tpu.vector_load %arg6[%get3A_349, %get3A_350, %get3A_351, %get3A_352] {strides = array<i32>} : memref<2x3x56x128xf32, #tpu.memory_space<vmem>>, vector<1x1x1x16xf32>,
        %get3A_354 = vector.shape_cast %get3A_353 : vector<1x1x1x16xf32> to vector<16xf32>
        %mul3A_355 = arith.constant 2.990000e-01 : f32
        %mul3A_356 = vector.broadcast %mul3A_355 : f32 to vector<16xf32>
        %mul3A_357 = arith.mulf %get3A_338, %mul3A_356 : vector<16xf32>
        %mul3A_358 = arith.constant 5.870000e-01 : f32
        %mul3A_359 = vector.broadcast %mul3A_358 : f32 to vector<16xf32>
        %mul3A_360 = arith.mulf %get3A_346, %mul3A_359 : vector<16xf32>
        %add3A_361 = arith.addf %mul3A_357, %mul3A_360 : vector<16xf32>
        %mul3A_362 = arith.constant 1.140000e-01 : f32
        %mul3A_363 = vector.broadcast %mul3A_362 : f32 to vector<16xf32>
        %mul3A_364 = arith.mulf %get3A_354, %mul3A_363 : vector<16xf32>
        %add3A_365 = arith.addf %add3A_361, %mul3A_364 : vector<16xf32>
        %select_n3A_366 = arith.select %gt3A_12, %add3A_365, %get3A_338 : vector<16xi1>, vector<16xf32>
        %swap3A_367 = arith.constant 1 : i32
        %swap3A_368 = arith.constant 0 : i32
        %swap3A_369 = arith.index_cast %swap3A_367 : i32 to index
        %swap3A_370 = arith.index_cast %swap3A_368 : i32 to index
        %swap3A_371 = arith.index_cast %scan3A_267 : i32 to index
        %swap3A_372 = arith.constant 16 : index
        %swap3A_373 = tpu.vector_load %arg7[%swap3A_369, %swap3A_370, %swap3A_371, %swap3A_372] {strides = array<i32>} : memref<2x3x56x128xf32, #tpu.memory_space<vmem>>, vector<1x1x1x16xf32>,
        %swap3A_374 = vector.shape_cast %swap3A_373 : vector<1x1x1x16xf32> to vector<16xf32>
        %swap3A_375 = vector.shape_cast %select_n3A_366 : vector<16xf32> to vector<1x1x1x16xf32>
        tpu.vector_store %arg7[%swap3A_369, %swap3A_370, %swap3A_371, %swap3A_372], %swap3A_375 {strides = array<i32>} : memref<2x3x56x128xf32, #tpu.memory_space<vmem>>, vector<1x1x1x16xf32>,
        %select_n3A_376 = arith.select %gt3A_12, %add3A_365, %get3A_346 : vector<16xi1>, vector<16xf32>
        %swap3A_377 = arith.constant 1 : i32
        %swap3A_378 = arith.constant 1 : i32
        %swap3A_379 = arith.index_cast %swap3A_377 : i32 to index
        %swap3A_380 = arith.index_cast %swap3A_378 : i32 to index
        %swap3A_381 = arith.index_cast %scan3A_267 : i32 to index
        %swap3A_382 = arith.constant 16 : index
        %swap3A_383 = tpu.vector_load %arg7[%swap3A_379, %swap3A_380, %swap3A_381, %swap3A_382] {strides = array<i32>} : memref<2x3x56x128xf32, #tpu.memory_space<vmem>>, vector<1x1x1x16xf32>,
        %swap3A_384 = vector.shape_cast %swap3A_383 : vector<1x1x1x16xf32> to vector<16xf32>
        %swap3A_385 = vector.shape_cast %select_n3A_376 : vector<16xf32> to vector<1x1x1x16xf32>
        tpu.vector_store %arg7[%swap3A_379, %swap3A_380, %swap3A_381, %swap3A_382], %swap3A_385 {strides = array<i32>} : memref<2x3x56x128xf32, #tpu.memory_space<vmem>>, vector<1x1x1x16xf32>,
        %select_n3A_386 = arith.select %gt3A_12, %add3A_365, %get3A_354 : vector<16xi1>, vector<16xf32>
        %swap3A_387 = arith.constant 1 : i32
        %swap3A_388 = arith.constant 2 : i32
        %swap3A_389 = arith.index_cast %swap3A_387 : i32 to index
        %swap3A_390 = arith.index_cast %swap3A_388 : i32 to index
        %swap3A_391 = arith.index_cast %scan3A_267 : i32 to index
        %swap3A_392 = arith.constant 16 : index
        %swap3A_393 = tpu.vector_load %arg7[%swap3A_389, %swap3A_390, %swap3A_391, %swap3A_392] {strides = array<i32>} : memref<2x3x56x128xf32, #tpu.memory_space<vmem>>, vector<1x1x1x16xf32>,
        %swap3A_394 = vector.shape_cast %swap3A_393 : vector<1x1x1x16xf32> to vector<16xf32>
        %swap3A_395 = vector.shape_cast %select_n3A_386 : vector<16xf32> to vector<1x1x1x16xf32>
        tpu.vector_store %arg7[%swap3A_389, %swap3A_390, %swap3A_391, %swap3A_392], %swap3A_395 {strides = array<i32>} : memref<2x3x56x128xf32, #tpu.memory_space<vmem>>, vector<1x1x1x16xf32>,
        %get3A_396 = arith.constant 1 : i32
        %get3A_397 = arith.constant 0 : i32
        %get3A_398 = arith.index_cast %get3A_396 : i32 to index
        %get3A_399 = arith.index_cast %get3A_397 : i32 to index
        %get3A_400 = arith.index_cast %scan3A_267 : i32 to index
        %get3A_401 = arith.constant 32 : index
        %get3A_402 = tpu.vector_load %arg6[%get3A_398, %get3A_399, %get3A_400, %get3A_401] {strides = array<i32>} : memref<2x3x56x128xf32, #tpu.memory_space<vmem>>, vector<1x1x1x16xf32>,
        %get3A_403 = vector.shape_cast %get3A_402 : vector<1x1x1x16xf32> to vector<16xf32>
        %get3A_404 = arith.constant 1 : i32
        %get3A_405 = arith.constant 1 : i32
        %get3A_406 = arith.index_cast %get3A_404 : i32 to index
        %get3A_407 = arith.index_cast %get3A_405 : i32 to index
        %get3A_408 = arith.index_cast %scan3A_267 : i32 to index
        %get3A_409 = arith.constant 32 : index
        %get3A_410 = tpu.vector_load %arg6[%get3A_406, %get3A_407, %get3A_408, %get3A_409] {strides = array<i32>} : memref<2x3x56x128xf32, #tpu.memory_space<vmem>>, vector<1x1x1x16xf32>,
        %get3A_411 = vector.shape_cast %get3A_410 : vector<1x1x1x16xf32> to vector<16xf32>
        %get3A_412 = arith.constant 1 : i32
        %get3A_413 = arith.constant 2 : i32
        %get3A_414 = arith.index_cast %get3A_412 : i32 to index
        %get3A_415 = arith.index_cast %get3A_413 : i32 to index
        %get3A_416 = arith.index_cast %scan3A_267 : i32 to index
        %get3A_417 = arith.constant 32 : index
        %get3A_418 = tpu.vector_load %arg6[%get3A_414, %get3A_415, %get3A_416, %get3A_417] {strides = array<i32>} : memref<2x3x56x128xf32, #tpu.memory_space<vmem>>, vector<1x1x1x16xf32>,
        %get3A_419 = vector.shape_cast %get3A_418 : vector<1x1x1x16xf32> to vector<16xf32>
        %mul3A_420 = arith.constant 2.990000e-01 : f32
        %mul3A_421 = vector.broadcast %mul3A_420 : f32 to vector<16xf32>
        %mul3A_422 = arith.mulf %get3A_403, %mul3A_421 : vector<16xf32>
        %mul3A_423 = arith.constant 5.870000e-01 : f32
        %mul3A_424 = vector.broadcast %mul3A_423 : f32 to vector<16xf32>
        %mul3A_425 = arith.mulf %get3A_411, %mul3A_424 : vector<16xf32>
        %add3A_426 = arith.addf %mul3A_422, %mul3A_425 : vector<16xf32>
        %mul3A_427 = arith.constant 1.140000e-01 : f32
        %mul3A_428 = vector.broadcast %mul3A_427 : f32 to vector<16xf32>
        %mul3A_429 = arith.mulf %get3A_419, %mul3A_428 : vector<16xf32>
        %add3A_430 = arith.addf %add3A_426, %mul3A_429 : vector<16xf32>
        %select_n3A_431 = arith.select %gt3A_18, %add3A_430, %get3A_403 : vector<16xi1>, vector<16xf32>
        %swap3A_432 = arith.constant 1 : i32
        %swap3A_433 = arith.constant 0 : i32
        %swap3A_434 = arith.index_cast %swap3A_432 : i32 to index
        %swap3A_435 = arith.index_cast %swap3A_433 : i32 to index
        %swap3A_436 = arith.index_cast %scan3A_267 : i32 to index
        %swap3A_437 = arith.constant 32 : index
        %swap3A_438 = tpu.vector_load %arg7[%swap3A_434, %swap3A_435, %swap3A_436, %swap3A_437] {strides = array<i32>} : memref<2x3x56x128xf32, #tpu.memory_space<vmem>>, vector<1x1x1x16xf32>,
        %swap3A_439 = vector.shape_cast %swap3A_438 : vector<1x1x1x16xf32> to vector<16xf32>
        %swap3A_440 = vector.shape_cast %select_n3A_431 : vector<16xf32> to vector<1x1x1x16xf32>
        tpu.vector_store %arg7[%swap3A_434, %swap3A_435, %swap3A_436, %swap3A_437], %swap3A_440 {strides = array<i32>} : memref<2x3x56x128xf32, #tpu.memory_space<vmem>>, vector<1x1x1x16xf32>,
        %select_n3A_441 = arith.select %gt3A_18, %add3A_430, %get3A_411 : vector<16xi1>, vector<16xf32>
        %swap3A_442 = arith.constant 1 : i32
        %swap3A_443 = arith.constant 1 : i32
        %swap3A_444 = arith.index_cast %swap3A_442 : i32 to index
        %swap3A_445 = arith.index_cast %swap3A_443 : i32 to index
        %swap3A_446 = arith.index_cast %scan3A_267 : i32 to index
        %swap3A_447 = arith.constant 32 : index
        %swap3A_448 = tpu.vector_load %arg7[%swap3A_444, %swap3A_445, %swap3A_446, %swap3A_447] {strides = array<i32>} : memref<2x3x56x128xf32, #tpu.memory_space<vmem>>, vector<1x1x1x16xf32>,
        %swap3A_449 = vector.shape_cast %swap3A_448 : vector<1x1x1x16xf32> to vector<16xf32>
        %swap3A_450 = vector.shape_cast %select_n3A_441 : vector<16xf32> to vector<1x1x1x16xf32>
        tpu.vector_store %arg7[%swap3A_444, %swap3A_445, %swap3A_446, %swap3A_447], %swap3A_450 {strides = array<i32>} : memref<2x3x56x128xf32, #tpu.memory_space<vmem>>, vector<1x1x1x16xf32>,
        %select_n3A_451 = arith.select %gt3A_18, %add3A_430, %get3A_419 : vector<16xi1>, vector<16xf32>
        %swap3A_452 = arith.constant 1 : i32
        %swap3A_453 = arith.constant 2 : i32
        %swap3A_454 = arith.index_cast %swap3A_452 : i32 to index
        %swap3A_455 = arith.index_cast %swap3A_453 : i32 to index
        %swap3A_456 = arith.index_cast %scan3A_267 : i32 to index
        %swap3A_457 = arith.constant 32 : index
        %swap3A_458 = tpu.vector_load %arg7[%swap3A_454, %swap3A_455, %swap3A_456, %swap3A_457] {strides = array<i32>} : memref<2x3x56x128xf32, #tpu.memory_space<vmem>>, vector<1x1x1x16xf32>,
        %swap3A_459 = vector.shape_cast %swap3A_458 : vector<1x1x1x16xf32> to vector<16xf32>
        %swap3A_460 = vector.shape_cast %select_n3A_451 : vector<16xf32> to vector<1x1x1x16xf32>
        tpu.vector_store %arg7[%swap3A_454, %swap3A_455, %swap3A_456, %swap3A_457], %swap3A_460 {strides = array<i32>} : memref<2x3x56x128xf32, #tpu.memory_space<vmem>>, vector<1x1x1x16xf32>,
        %get3A_461 = arith.constant 1 : i32
        %get3A_462 = arith.constant 0 : i32
        %get3A_463 = arith.index_cast %get3A_461 : i32 to index
        %get3A_464 = arith.index_cast %get3A_462 : i32 to index
        %get3A_465 = arith.index_cast %scan3A_267 : i32 to index
        %get3A_466 = arith.constant 48 : index
        %get3A_467 = tpu.vector_load %arg6[%get3A_463, %get3A_464, %get3A_465, %get3A_466] {strides = array<i32>} : memref<2x3x56x128xf32, #tpu.memory_space<vmem>>, vector<1x1x1x16xf32>,
        %get3A_468 = vector.shape_cast %get3A_467 : vector<1x1x1x16xf32> to vector<16xf32>
        %get3A_469 = arith.constant 1 : i32
        %get3A_470 = arith.constant 1 : i32
        %get3A_471 = arith.index_cast %get3A_469 : i32 to index
        %get3A_472 = arith.index_cast %get3A_470 : i32 to index
        %get3A_473 = arith.index_cast %scan3A_267 : i32 to index
        %get3A_474 = arith.constant 48 : index
        %get3A_475 = tpu.vector_load %arg6[%get3A_471, %get3A_472, %get3A_473, %get3A_474] {strides = array<i32>} : memref<2x3x56x128xf32, #tpu.memory_space<vmem>>, vector<1x1x1x16xf32>,
        %get3A_476 = vector.shape_cast %get3A_475 : vector<1x1x1x16xf32> to vector<16xf32>
        %get3A_477 = arith.constant 1 : i32
        %get3A_478 = arith.constant 2 : i32
        %get3A_479 = arith.index_cast %get3A_477 : i32 to index
        %get3A_480 = arith.index_cast %get3A_478 : i32 to index
        %get3A_481 = arith.index_cast %scan3A_267 : i32 to index
        %get3A_482 = arith.constant 48 : index
        %get3A_483 = tpu.vector_load %arg6[%get3A_479, %get3A_480, %get3A_481, %get3A_482] {strides = array<i32>} : memref<2x3x56x128xf32, #tpu.memory_space<vmem>>, vector<1x1x1x16xf32>,
        %get3A_484 = vector.shape_cast %get3A_483 : vector<1x1x1x16xf32> to vector<16xf32>
        %mul3A_485 = arith.constant 2.990000e-01 : f32
        %mul3A_486 = vector.broadcast %mul3A_485 : f32 to vector<16xf32>
        %mul3A_487 = arith.mulf %get3A_468, %mul3A_486 : vector<16xf32>
        %mul3A_488 = arith.constant 5.870000e-01 : f32
        %mul3A_489 = vector.broadcast %mul3A_488 : f32 to vector<16xf32>
        %mul3A_490 = arith.mulf %get3A_476, %mul3A_489 : vector<16xf32>
        %add3A_491 = arith.addf %mul3A_487, %mul3A_490 : vector<16xf32>
        %mul3A_492 = arith.constant 1.140000e-01 : f32
        %mul3A_493 = vector.broadcast %mul3A_492 : f32 to vector<16xf32>
        %mul3A_494 = arith.mulf %get3A_484, %mul3A_493 : vector<16xf32>
        %add3A_495 = arith.addf %add3A_491, %mul3A_494 : vector<16xf32>
        %select_n3A_496 = arith.select %gt3A_24, %add3A_495, %get3A_468 : vector<16xi1>, vector<16xf32>
        %swap3A_497 = arith.constant 1 : i32
        %swap3A_498 = arith.constant 0 : i32
        %swap3A_499 = arith.index_cast %swap3A_497 : i32 to index
        %swap3A_500 = arith.index_cast %swap3A_498 : i32 to index
        %swap3A_501 = arith.index_cast %scan3A_267 : i32 to index
        %swap3A_502 = arith.constant 48 : index
        %swap3A_503 = tpu.vector_load %arg7[%swap3A_499, %swap3A_500, %swap3A_501, %swap3A_502] {strides = array<i32>} : memref<2x3x56x128xf32, #tpu.memory_space<vmem>>, vector<1x1x1x16xf32>,
        %swap3A_504 = vector.shape_cast %swap3A_503 : vector<1x1x1x16xf32> to vector<16xf32>
        %swap3A_505 = vector.shape_cast %select_n3A_496 : vector<16xf32> to vector<1x1x1x16xf32>
        tpu.vector_store %arg7[%swap3A_499, %swap3A_500, %swap3A_501, %swap3A_502], %swap3A_505 {strides = array<i32>} : memref<2x3x56x128xf32, #tpu.memory_space<vmem>>, vector<1x1x1x16xf32>,
        %select_n3A_506 = arith.select %gt3A_24, %add3A_495, %get3A_476 : vector<16xi1>, vector<16xf32>
        %swap3A_507 = arith.constant 1 : i32
        %swap3A_508 = arith.constant 1 : i32
        %swap3A_509 = arith.index_cast %swap3A_507 : i32 to index
        %swap3A_510 = arith.index_cast %swap3A_508 : i32 to index
        %swap3A_511 = arith.index_cast %scan3A_267 : i32 to index
        %swap3A_512 = arith.constant 48 : index
        %swap3A_513 = tpu.vector_load %arg7[%swap3A_509, %swap3A_510, %swap3A_511, %swap3A_512] {strides = array<i32>} : memref<2x3x56x128xf32, #tpu.memory_space<vmem>>, vector<1x1x1x16xf32>,
        %swap3A_514 = vector.shape_cast %swap3A_513 : vector<1x1x1x16xf32> to vector<16xf32>
        %swap3A_515 = vector.shape_cast %select_n3A_506 : vector<16xf32> to vector<1x1x1x16xf32>
        tpu.vector_store %arg7[%swap3A_509, %swap3A_510, %swap3A_511, %swap3A_512], %swap3A_515 {strides = array<i32>} : memref<2x3x56x128xf32, #tpu.memory_space<vmem>>, vector<1x1x1x16xf32>,
        %select_n3A_516 = arith.select %gt3A_24, %add3A_495, %get3A_484 : vector<16xi1>, vector<16xf32>
        %swap3A_517 = arith.constant 1 : i32
        %swap3A_518 = arith.constant 2 : i32
        %swap3A_519 = arith.index_cast %swap3A_517 : i32 to index
        %swap3A_520 = arith.index_cast %swap3A_518 : i32 to index
        %swap3A_521 = arith.index_cast %scan3A_267 : i32 to index
        %swap3A_522 = arith.constant 48 : index
        %swap3A_523 = tpu.vector_load %arg7[%swap3A_519, %swap3A_520, %swap3A_521, %swap3A_522] {strides = array<i32>} : memref<2x3x56x128xf32, #tpu.memory_space<vmem>>, vector<1x1x1x16xf32>,
        %swap3A_524 = vector.shape_cast %swap3A_523 : vector<1x1x1x16xf32> to vector<16xf32>
        %swap3A_525 = vector.shape_cast %select_n3A_516 : vector<16xf32> to vector<1x1x1x16xf32>
        tpu.vector_store %arg7[%swap3A_519, %swap3A_520, %swap3A_521, %swap3A_522], %swap3A_525 {strides = array<i32>} : memref<2x3x56x128xf32, #tpu.memory_space<vmem>>, vector<1x1x1x16xf32>,
        %get3A_526 = arith.constant 1 : i32
        %get3A_527 = arith.constant 0 : i32
        %get3A_528 = arith.index_cast %get3A_526 : i32 to index
        %get3A_529 = arith.index_cast %get3A_527 : i32 to index
        %get3A_530 = arith.index_cast %scan3A_267 : i32 to index
        %get3A_531 = arith.constant 64 : index
        %get3A_532 = tpu.vector_load %arg6[%get3A_528, %get3A_529, %get3A_530, %get3A_531] {strides = array<i32>} : memref<2x3x56x128xf32, #tpu.memory_space<vmem>>, vector<1x1x1x16xf32>,
        %get3A_533 = vector.shape_cast %get3A_532 : vector<1x1x1x16xf32> to vector<16xf32>
        %get3A_534 = arith.constant 1 : i32
        %get3A_535 = arith.constant 1 : i32
        %get3A_536 = arith.index_cast %get3A_534 : i32 to index
        %get3A_537 = arith.index_cast %get3A_535 : i32 to index
        %get3A_538 = arith.index_cast %scan3A_267 : i32 to index
        %get3A_539 = arith.constant 64 : index
        %get3A_540 = tpu.vector_load %arg6[%get3A_536, %get3A_537, %get3A_538, %get3A_539] {strides = array<i32>} : memref<2x3x56x128xf32, #tpu.memory_space<vmem>>, vector<1x1x1x16xf32>,
        %get3A_541 = vector.shape_cast %get3A_540 : vector<1x1x1x16xf32> to vector<16xf32>
        %get3A_542 = arith.constant 1 : i32
        %get3A_543 = arith.constant 2 : i32
        %get3A_544 = arith.index_cast %get3A_542 : i32 to index
        %get3A_545 = arith.index_cast %get3A_543 : i32 to index
        %get3A_546 = arith.index_cast %scan3A_267 : i32 to index
        %get3A_547 = arith.constant 64 : index
        %get3A_548 = tpu.vector_load %arg6[%get3A_544, %get3A_545, %get3A_546, %get3A_547] {strides = array<i32>} : memref<2x3x56x128xf32, #tpu.memory_space<vmem>>, vector<1x1x1x16xf32>,
        %get3A_549 = vector.shape_cast %get3A_548 : vector<1x1x1x16xf32> to vector<16xf32>
        %mul3A_550 = arith.constant 2.990000e-01 : f32
        %mul3A_551 = vector.broadcast %mul3A_550 : f32 to vector<16xf32>
        %mul3A_552 = arith.mulf %get3A_533, %mul3A_551 : vector<16xf32>
        %mul3A_553 = arith.constant 5.870000e-01 : f32
        %mul3A_554 = vector.broadcast %mul3A_553 : f32 to vector<16xf32>
        %mul3A_555 = arith.mulf %get3A_541, %mul3A_554 : vector<16xf32>
        %add3A_556 = arith.addf %mul3A_552, %mul3A_555 : vector<16xf32>
        %mul3A_557 = arith.constant 1.140000e-01 : f32
        %mul3A_558 = vector.broadcast %mul3A_557 : f32 to vector<16xf32>
        %mul3A_559 = arith.mulf %get3A_549, %mul3A_558 : vector<16xf32>
        %add3A_560 = arith.addf %add3A_556, %mul3A_559 : vector<16xf32>
        %select_n3A_561 = arith.select %gt3A_30, %add3A_560, %get3A_533 : vector<16xi1>, vector<16xf32>
        %swap3A_562 = arith.constant 1 : i32
        %swap3A_563 = arith.constant 0 : i32
        %swap3A_564 = arith.index_cast %swap3A_562 : i32 to index
        %swap3A_565 = arith.index_cast %swap3A_563 : i32 to index
        %swap3A_566 = arith.index_cast %scan3A_267 : i32 to index
        %swap3A_567 = arith.constant 64 : index
        %swap3A_568 = tpu.vector_load %arg7[%swap3A_564, %swap3A_565, %swap3A_566, %swap3A_567] {strides = array<i32>} : memref<2x3x56x128xf32, #tpu.memory_space<vmem>>, vector<1x1x1x16xf32>,
        %swap3A_569 = vector.shape_cast %swap3A_568 : vector<1x1x1x16xf32> to vector<16xf32>
        %swap3A_570 = vector.shape_cast %select_n3A_561 : vector<16xf32> to vector<1x1x1x16xf32>
        tpu.vector_store %arg7[%swap3A_564, %swap3A_565, %swap3A_566, %swap3A_567], %swap3A_570 {strides = array<i32>} : memref<2x3x56x128xf32, #tpu.memory_space<vmem>>, vector<1x1x1x16xf32>,
        %select_n3A_571 = arith.select %gt3A_30, %add3A_560, %get3A_541 : vector<16xi1>, vector<16xf32>
        %swap3A_572 = arith.constant 1 : i32
        %swap3A_573 = arith.constant 1 : i32
        %swap3A_574 = arith.index_cast %swap3A_572 : i32 to index
        %swap3A_575 = arith.index_cast %swap3A_573 : i32 to index
        %swap3A_576 = arith.index_cast %scan3A_267 : i32 to index
        %swap3A_577 = arith.constant 64 : index
        %swap3A_578 = tpu.vector_load %arg7[%swap3A_574, %swap3A_575, %swap3A_576, %swap3A_577] {strides = array<i32>} : memref<2x3x56x128xf32, #tpu.memory_space<vmem>>, vector<1x1x1x16xf32>,
        %swap3A_579 = vector.shape_cast %swap3A_578 : vector<1x1x1x16xf32> to vector<16xf32>
        %swap3A_580 = vector.shape_cast %select_n3A_571 : vector<16xf32> to vector<1x1x1x16xf32>
        tpu.vector_store %arg7[%swap3A_574, %swap3A_575, %swap3A_576, %swap3A_577], %swap3A_580 {strides = array<i32>} : memref<2x3x56x128xf32, #tpu.memory_space<vmem>>, vector<1x1x1x16xf32>,
        %select_n3A_581 = arith.select %gt3A_30, %add3A_560, %get3A_549 : vector<16xi1>, vector<16xf32>
        %swap3A_582 = arith.constant 1 : i32
        %swap3A_583 = arith.constant 2 : i32
        %swap3A_584 = arith.index_cast %swap3A_582 : i32 to index
        %swap3A_585 = arith.index_cast %swap3A_583 : i32 to index
        %swap3A_586 = arith.index_cast %scan3A_267 : i32 to index
        %swap3A_587 = arith.constant 64 : index
        %swap3A_588 = tpu.vector_load %arg7[%swap3A_584, %swap3A_585, %swap3A_586, %swap3A_587] {strides = array<i32>} : memref<2x3x56x128xf32, #tpu.memory_space<vmem>>, vector<1x1x1x16xf32>,
        %swap3A_589 = vector.shape_cast %swap3A_588 : vector<1x1x1x16xf32> to vector<16xf32>
        %swap3A_590 = vector.shape_cast %select_n3A_581 : vector<16xf32> to vector<1x1x1x16xf32>
        tpu.vector_store %arg7[%swap3A_584, %swap3A_585, %swap3A_586, %swap3A_587], %swap3A_590 {strides = array<i32>} : memref<2x3x56x128xf32, #tpu.memory_space<vmem>>, vector<1x1x1x16xf32>,
        %get3A_591 = arith.constant 1 : i32
        %get3A_592 = arith.constant 0 : i32
        %get3A_593 = arith.index_cast %get3A_591 : i32 to index
        %get3A_594 = arith.index_cast %get3A_592 : i32 to index
        %get3A_595 = arith.index_cast %scan3A_267 : i32 to index
        %get3A_596 = arith.constant 80 : index
        %get3A_597 = tpu.vector_load %arg6[%get3A_593, %get3A_594, %get3A_595, %get3A_596] {strides = array<i32>} : memref<2x3x56x128xf32, #tpu.memory_space<vmem>>, vector<1x1x1x16xf32>,
        %get3A_598 = vector.shape_cast %get3A_597 : vector<1x1x1x16xf32> to vector<16xf32>
        %get3A_599 = arith.constant 1 : i32
        %get3A_600 = arith.constant 1 : i32
        %get3A_601 = arith.index_cast %get3A_599 : i32 to index
        %get3A_602 = arith.index_cast %get3A_600 : i32 to index
        %get3A_603 = arith.index_cast %scan3A_267 : i32 to index
        %get3A_604 = arith.constant 80 : index
        %get3A_605 = tpu.vector_load %arg6[%get3A_601, %get3A_602, %get3A_603, %get3A_604] {strides = array<i32>} : memref<2x3x56x128xf32, #tpu.memory_space<vmem>>, vector<1x1x1x16xf32>,
        %get3A_606 = vector.shape_cast %get3A_605 : vector<1x1x1x16xf32> to vector<16xf32>
        %get3A_607 = arith.constant 1 : i32
        %get3A_608 = arith.constant 2 : i32
        %get3A_609 = arith.index_cast %get3A_607 : i32 to index
        %get3A_610 = arith.index_cast %get3A_608 : i32 to index
        %get3A_611 = arith.index_cast %scan3A_267 : i32 to index
        %get3A_612 = arith.constant 80 : index
        %get3A_613 = tpu.vector_load %arg6[%get3A_609, %get3A_610, %get3A_611, %get3A_612] {strides = array<i32>} : memref<2x3x56x128xf32, #tpu.memory_space<vmem>>, vector<1x1x1x16xf32>,
        %get3A_614 = vector.shape_cast %get3A_613 : vector<1x1x1x16xf32> to vector<16xf32>
        %mul3A_615 = arith.constant 2.990000e-01 : f32
        %mul3A_616 = vector.broadcast %mul3A_615 : f32 to vector<16xf32>
        %mul3A_617 = arith.mulf %get3A_598, %mul3A_616 : vector<16xf32>
        %mul3A_618 = arith.constant 5.870000e-01 : f32
        %mul3A_619 = vector.broadcast %mul3A_618 : f32 to vector<16xf32>
        %mul3A_620 = arith.mulf %get3A_606, %mul3A_619 : vector<16xf32>
        %add3A_621 = arith.addf %mul3A_617, %mul3A_620 : vector<16xf32>
        %mul3A_622 = arith.constant 1.140000e-01 : f32
        %mul3A_623 = vector.broadcast %mul3A_622 : f32 to vector<16xf32>
        %mul3A_624 = arith.mulf %get3A_614, %mul3A_623 : vector<16xf32>
        %add3A_625 = arith.addf %add3A_621, %mul3A_624 : vector<16xf32>
        %select_n3A_626 = arith.select %gt3A_36, %add3A_625, %get3A_598 : vector<16xi1>, vector<16xf32>
        %swap3A_627 = arith.constant 1 : i32
        %swap3A_628 = arith.constant 0 : i32
        %swap3A_629 = arith.index_cast %swap3A_627 : i32 to index
        %swap3A_630 = arith.index_cast %swap3A_628 : i32 to index
        %swap3A_631 = arith.index_cast %scan3A_267 : i32 to index
        %swap3A_632 = arith.constant 80 : index
        %swap3A_633 = tpu.vector_load %arg7[%swap3A_629, %swap3A_630, %swap3A_631, %swap3A_632] {strides = array<i32>} : memref<2x3x56x128xf32, #tpu.memory_space<vmem>>, vector<1x1x1x16xf32>,
        %swap3A_634 = vector.shape_cast %swap3A_633 : vector<1x1x1x16xf32> to vector<16xf32>
        %swap3A_635 = vector.shape_cast %select_n3A_626 : vector<16xf32> to vector<1x1x1x16xf32>
        tpu.vector_store %arg7[%swap3A_629, %swap3A_630, %swap3A_631, %swap3A_632], %swap3A_635 {strides = array<i32>} : memref<2x3x56x128xf32, #tpu.memory_space<vmem>>, vector<1x1x1x16xf32>,
        %select_n3A_636 = arith.select %gt3A_36, %add3A_625, %get3A_606 : vector<16xi1>, vector<16xf32>
        %swap3A_637 = arith.constant 1 : i32
        %swap3A_638 = arith.constant 1 : i32
        %swap3A_639 = arith.index_cast %swap3A_637 : i32 to index
        %swap3A_640 = arith.index_cast %swap3A_638 : i32 to index
        %swap3A_641 = arith.index_cast %scan3A_267 : i32 to index
        %swap3A_642 = arith.constant 80 : index
        %swap3A_643 = tpu.vector_load %arg7[%swap3A_639, %swap3A_640, %swap3A_641, %swap3A_642] {strides = array<i32>} : memref<2x3x56x128xf32, #tpu.memory_space<vmem>>, vector<1x1x1x16xf32>,
        %swap3A_644 = vector.shape_cast %swap3A_643 : vector<1x1x1x16xf32> to vector<16xf32>
        %swap3A_645 = vector.shape_cast %select_n3A_636 : vector<16xf32> to vector<1x1x1x16xf32>
        tpu.vector_store %arg7[%swap3A_639, %swap3A_640, %swap3A_641, %swap3A_642], %swap3A_645 {strides = array<i32>} : memref<2x3x56x128xf32, #tpu.memory_space<vmem>>, vector<1x1x1x16xf32>,
        %select_n3A_646 = arith.select %gt3A_36, %add3A_625, %get3A_614 : vector<16xi1>, vector<16xf32>
        %swap3A_647 = arith.constant 1 : i32
        %swap3A_648 = arith.constant 2 : i32
        %swap3A_649 = arith.index_cast %swap3A_647 : i32 to index
        %swap3A_650 = arith.index_cast %swap3A_648 : i32 to index
        %swap3A_651 = arith.index_cast %scan3A_267 : i32 to index
        %swap3A_652 = arith.constant 80 : index
        %swap3A_653 = tpu.vector_load %arg7[%swap3A_649, %swap3A_650, %swap3A_651, %swap3A_652] {strides = array<i32>} : memref<2x3x56x128xf32, #tpu.memory_space<vmem>>, vector<1x1x1x16xf32>,
        %swap3A_654 = vector.shape_cast %swap3A_653 : vector<1x1x1x16xf32> to vector<16xf32>
        %swap3A_655 = vector.shape_cast %select_n3A_646 : vector<16xf32> to vector<1x1x1x16xf32>
        tpu.vector_store %arg7[%swap3A_649, %swap3A_650, %swap3A_651, %swap3A_652], %swap3A_655 {strides = array<i32>} : memref<2x3x56x128xf32, #tpu.memory_space<vmem>>, vector<1x1x1x16xf32>,
        %get3A_656 = arith.constant 1 : i32
        %get3A_657 = arith.constant 0 : i32
        %get3A_658 = arith.index_cast %get3A_656 : i32 to index
        %get3A_659 = arith.index_cast %get3A_657 : i32 to index
        %get3A_660 = arith.index_cast %scan3A_267 : i32 to index
        %get3A_661 = arith.constant 96 : index
        %get3A_662 = tpu.vector_load %arg6[%get3A_658, %get3A_659, %get3A_660, %get3A_661] {strides = array<i32>} : memref<2x3x56x128xf32, #tpu.memory_space<vmem>>, vector<1x1x1x16xf32>,
        %get3A_663 = vector.shape_cast %get3A_662 : vector<1x1x1x16xf32> to vector<16xf32>
        %get3A_664 = arith.constant 1 : i32
        %get3A_665 = arith.constant 1 : i32
        %get3A_666 = arith.index_cast %get3A_664 : i32 to index
        %get3A_667 = arith.index_cast %get3A_665 : i32 to index
        %get3A_668 = arith.index_cast %scan3A_267 : i32 to index
        %get3A_669 = arith.constant 96 : index
        %get3A_670 = tpu.vector_load %arg6[%get3A_666, %get3A_667, %get3A_668, %get3A_669] {strides = array<i32>} : memref<2x3x56x128xf32, #tpu.memory_space<vmem>>, vector<1x1x1x16xf32>,
        %get3A_671 = vector.shape_cast %get3A_670 : vector<1x1x1x16xf32> to vector<16xf32>
        %get3A_672 = arith.constant 1 : i32
        %get3A_673 = arith.constant 2 : i32
        %get3A_674 = arith.index_cast %get3A_672 : i32 to index
        %get3A_675 = arith.index_cast %get3A_673 : i32 to index
        %get3A_676 = arith.index_cast %scan3A_267 : i32 to index
        %get3A_677 = arith.constant 96 : index
        %get3A_678 = tpu.vector_load %arg6[%get3A_674, %get3A_675, %get3A_676, %get3A_677] {strides = array<i32>} : memref<2x3x56x128xf32, #tpu.memory_space<vmem>>, vector<1x1x1x16xf32>,
        %get3A_679 = vector.shape_cast %get3A_678 : vector<1x1x1x16xf32> to vector<16xf32>
        %mul3A_680 = arith.constant 2.990000e-01 : f32
        %mul3A_681 = vector.broadcast %mul3A_680 : f32 to vector<16xf32>
        %mul3A_682 = arith.mulf %get3A_663, %mul3A_681 : vector<16xf32>
        %mul3A_683 = arith.constant 5.870000e-01 : f32
        %mul3A_684 = vector.broadcast %mul3A_683 : f32 to vector<16xf32>
        %mul3A_685 = arith.mulf %get3A_671, %mul3A_684 : vector<16xf32>
        %add3A_686 = arith.addf %mul3A_682, %mul3A_685 : vector<16xf32>
        %mul3A_687 = arith.constant 1.140000e-01 : f32
        %mul3A_688 = vector.broadcast %mul3A_687 : f32 to vector<16xf32>
        %mul3A_689 = arith.mulf %get3A_679, %mul3A_688 : vector<16xf32>
        %add3A_690 = arith.addf %add3A_686, %mul3A_689 : vector<16xf32>
        %select_n3A_691 = arith.select %gt3A_42, %add3A_690, %get3A_663 : vector<16xi1>, vector<16xf32>
        %swap3A_692 = arith.constant 1 : i32
        %swap3A_693 = arith.constant 0 : i32
        %swap3A_694 = arith.index_cast %swap3A_692 : i32 to index
        %swap3A_695 = arith.index_cast %swap3A_693 : i32 to index
        %swap3A_696 = arith.index_cast %scan3A_267 : i32 to index
        %swap3A_697 = arith.constant 96 : index
        %swap3A_698 = tpu.vector_load %arg7[%swap3A_694, %swap3A_695, %swap3A_696, %swap3A_697] {strides = array<i32>} : memref<2x3x56x128xf32, #tpu.memory_space<vmem>>, vector<1x1x1x16xf32>,
        %swap3A_699 = vector.shape_cast %swap3A_698 : vector<1x1x1x16xf32> to vector<16xf32>
        %swap3A_700 = vector.shape_cast %select_n3A_691 : vector<16xf32> to vector<1x1x1x16xf32>
        tpu.vector_store %arg7[%swap3A_694, %swap3A_695, %swap3A_696, %swap3A_697], %swap3A_700 {strides = array<i32>} : memref<2x3x56x128xf32, #tpu.memory_space<vmem>>, vector<1x1x1x16xf32>,
        %select_n3A_701 = arith.select %gt3A_42, %add3A_690, %get3A_671 : vector<16xi1>, vector<16xf32>
        %swap3A_702 = arith.constant 1 : i32
        %swap3A_703 = arith.constant 1 : i32
        %swap3A_704 = arith.index_cast %swap3A_702 : i32 to index
        %swap3A_705 = arith.index_cast %swap3A_703 : i32 to index
        %swap3A_706 = arith.index_cast %scan3A_267 : i32 to index
        %swap3A_707 = arith.constant 96 : index
        %swap3A_708 = tpu.vector_load %arg7[%swap3A_704, %swap3A_705, %swap3A_706, %swap3A_707] {strides = array<i32>} : memref<2x3x56x128xf32, #tpu.memory_space<vmem>>, vector<1x1x1x16xf32>,
        %swap3A_709 = vector.shape_cast %swap3A_708 : vector<1x1x1x16xf32> to vector<16xf32>
        %swap3A_710 = vector.shape_cast %select_n3A_701 : vector<16xf32> to vector<1x1x1x16xf32>
        tpu.vector_store %arg7[%swap3A_704, %swap3A_705, %swap3A_706, %swap3A_707], %swap3A_710 {strides = array<i32>} : memref<2x3x56x128xf32, #tpu.memory_space<vmem>>, vector<1x1x1x16xf32>,
        %select_n3A_711 = arith.select %gt3A_42, %add3A_690, %get3A_679 : vector<16xi1>, vector<16xf32>
        %swap3A_712 = arith.constant 1 : i32
        %swap3A_713 = arith.constant 2 : i32
        %swap3A_714 = arith.index_cast %swap3A_712 : i32 to index
        %swap3A_715 = arith.index_cast %swap3A_713 : i32 to index
        %swap3A_716 = arith.index_cast %scan3A_267 : i32 to index
        %swap3A_717 = arith.constant 96 : index
        %swap3A_718 = tpu.vector_load %arg7[%swap3A_714, %swap3A_715, %swap3A_716, %swap3A_717] {strides = array<i32>} : memref<2x3x56x128xf32, #tpu.memory_space<vmem>>, vector<1x1x1x16xf32>,
        %swap3A_719 = vector.shape_cast %swap3A_718 : vector<1x1x1x16xf32> to vector<16xf32>
        %swap3A_720 = vector.shape_cast %select_n3A_711 : vector<16xf32> to vector<1x1x1x16xf32>
        tpu.vector_store %arg7[%swap3A_714, %swap3A_715, %swap3A_716, %swap3A_717], %swap3A_720 {strides = array<i32>} : memref<2x3x56x128xf32, #tpu.memory_space<vmem>>, vector<1x1x1x16xf32>,
        %get3A_721 = arith.constant 1 : i32
        %get3A_722 = arith.constant 0 : i32
        %get3A_723 = arith.index_cast %get3A_721 : i32 to index
        %get3A_724 = arith.index_cast %get3A_722 : i32 to index
        %get3A_725 = arith.index_cast %scan3A_267 : i32 to index
        %get3A_726 = arith.constant 112 : index
        %get3A_727 = tpu.vector_load %arg6[%get3A_723, %get3A_724, %get3A_725, %get3A_726] {strides = array<i32>} : memref<2x3x56x128xf32, #tpu.memory_space<vmem>>, vector<1x1x1x16xf32>,
        %get3A_728 = vector.shape_cast %get3A_727 : vector<1x1x1x16xf32> to vector<16xf32>
        %get3A_729 = arith.constant 1 : i32
        %get3A_730 = arith.constant 1 : i32
        %get3A_731 = arith.index_cast %get3A_729 : i32 to index
        %get3A_732 = arith.index_cast %get3A_730 : i32 to index
        %get3A_733 = arith.index_cast %scan3A_267 : i32 to index
        %get3A_734 = arith.constant 112 : index
        %get3A_735 = tpu.vector_load %arg6[%get3A_731, %get3A_732, %get3A_733, %get3A_734] {strides = array<i32>} : memref<2x3x56x128xf32, #tpu.memory_space<vmem>>, vector<1x1x1x16xf32>,
        %get3A_736 = vector.shape_cast %get3A_735 : vector<1x1x1x16xf32> to vector<16xf32>
        %get3A_737 = arith.constant 1 : i32
        %get3A_738 = arith.constant 2 : i32
        %get3A_739 = arith.index_cast %get3A_737 : i32 to index
        %get3A_740 = arith.index_cast %get3A_738 : i32 to index
        %get3A_741 = arith.index_cast %scan3A_267 : i32 to index
        %get3A_742 = arith.constant 112 : index
        %get3A_743 = tpu.vector_load %arg6[%get3A_739, %get3A_740, %get3A_741, %get3A_742] {strides = array<i32>} : memref<2x3x56x128xf32, #tpu.memory_space<vmem>>, vector<1x1x1x16xf32>,
        %get3A_744 = vector.shape_cast %get3A_743 : vector<1x1x1x16xf32> to vector<16xf32>
        %mul3A_745 = arith.constant 2.990000e-01 : f32
        %mul3A_746 = vector.broadcast %mul3A_745 : f32 to vector<16xf32>
        %mul3A_747 = arith.mulf %get3A_728, %mul3A_746 : vector<16xf32>
        %mul3A_748 = arith.constant 5.870000e-01 : f32
        %mul3A_749 = vector.broadcast %mul3A_748 : f32 to vector<16xf32>
        %mul3A_750 = arith.mulf %get3A_736, %mul3A_749 : vector<16xf32>
        %add3A_751 = arith.addf %mul3A_747, %mul3A_750 : vector<16xf32>
        %mul3A_752 = arith.constant 1.140000e-01 : f32
        %mul3A_753 = vector.broadcast %mul3A_752 : f32 to vector<16xf32>
        %mul3A_754 = arith.mulf %get3A_744, %mul3A_753 : vector<16xf32>
        %add3A_755 = arith.addf %add3A_751, %mul3A_754 : vector<16xf32>
        %select_n3A_756 = arith.select %gt3A_48, %add3A_755, %get3A_728 : vector<16xi1>, vector<16xf32>
        %swap3A_757 = arith.constant 1 : i32
        %swap3A_758 = arith.constant 0 : i32
        %swap3A_759 = arith.index_cast %swap3A_757 : i32 to index
        %swap3A_760 = arith.index_cast %swap3A_758 : i32 to index
        %swap3A_761 = arith.index_cast %scan3A_267 : i32 to index
        %swap3A_762 = arith.constant 112 : index
        %swap3A_763 = tpu.vector_load %arg7[%swap3A_759, %swap3A_760, %swap3A_761, %swap3A_762] {strides = array<i32>} : memref<2x3x56x128xf32, #tpu.memory_space<vmem>>, vector<1x1x1x16xf32>,
        %swap3A_764 = vector.shape_cast %swap3A_763 : vector<1x1x1x16xf32> to vector<16xf32>
        %swap3A_765 = vector.shape_cast %select_n3A_756 : vector<16xf32> to vector<1x1x1x16xf32>
        tpu.vector_store %arg7[%swap3A_759, %swap3A_760, %swap3A_761, %swap3A_762], %swap3A_765 {strides = array<i32>} : memref<2x3x56x128xf32, #tpu.memory_space<vmem>>, vector<1x1x1x16xf32>,
        %select_n3A_766 = arith.select %gt3A_48, %add3A_755, %get3A_736 : vector<16xi1>, vector<16xf32>
        %swap3A_767 = arith.constant 1 : i32
        %swap3A_768 = arith.constant 1 : i32
        %swap3A_769 = arith.index_cast %swap3A_767 : i32 to index
        %swap3A_770 = arith.index_cast %swap3A_768 : i32 to index
        %swap3A_771 = arith.index_cast %scan3A_267 : i32 to index
        %swap3A_772 = arith.constant 112 : index
        %swap3A_773 = tpu.vector_load %arg7[%swap3A_769, %swap3A_770, %swap3A_771, %swap3A_772] {strides = array<i32>} : memref<2x3x56x128xf32, #tpu.memory_space<vmem>>, vector<1x1x1x16xf32>,
        %swap3A_774 = vector.shape_cast %swap3A_773 : vector<1x1x1x16xf32> to vector<16xf32>
        %swap3A_775 = vector.shape_cast %select_n3A_766 : vector<16xf32> to vector<1x1x1x16xf32>
        tpu.vector_store %arg7[%swap3A_769, %swap3A_770, %swap3A_771, %swap3A_772], %swap3A_775 {strides = array<i32>} : memref<2x3x56x128xf32, #tpu.memory_space<vmem>>, vector<1x1x1x16xf32>,
        %select_n3A_776 = arith.select %gt3A_48, %add3A_755, %get3A_744 : vector<16xi1>, vector<16xf32>
        %swap3A_777 = arith.constant 1 : i32
        %swap3A_778 = arith.constant 2 : i32
        %swap3A_779 = arith.index_cast %swap3A_777 : i32 to index
        %swap3A_780 = arith.index_cast %swap3A_778 : i32 to index
        %swap3A_781 = arith.index_cast %scan3A_267 : i32 to index
        %swap3A_782 = arith.constant 112 : index
        %swap3A_783 = tpu.vector_load %arg7[%swap3A_779, %swap3A_780, %swap3A_781, %swap3A_782] {strides = array<i32>} : memref<2x3x56x128xf32, #tpu.memory_space<vmem>>, vector<1x1x1x16xf32>,
        %swap3A_784 = vector.shape_cast %swap3A_783 : vector<1x1x1x16xf32> to vector<16xf32>
        %swap3A_785 = vector.shape_cast %select_n3A_776 : vector<16xf32> to vector<1x1x1x16xf32>
        tpu.vector_store %arg7[%swap3A_779, %swap3A_780, %swap3A_781, %swap3A_782], %swap3A_785 {strides = array<i32>} : memref<2x3x56x128xf32, #tpu.memory_space<vmem>>, vector<1x1x1x16xf32>,
      }
      %scan3A_239 = arith.constant 56 : i32
      %dma_start3A_240 = arith.constant 1 : i32
      %dma_start3A_241 = arith.constant 1 : i32
      %dma_start3A_242 = arith.constant 0 : i32
      %dma_start3A_243 = arith.constant 0 : i32
      %dma_start3A_244 = arith.constant 0 : i32
      %dma_start3A_245 = tpu.memref_slice %arg7[%dma_start3A_240, %dma_start3A_242, %dma_start3A_243, %dma_start3A_244] : memref<2x3x56x128xf32, #tpu.memory_space<vmem>> -> memref<1x3x56x128xf32, #tpu.memory_space<vmem>>
      %dma_start3A_246 = tpu.memref_squeeze %dma_start3A_245 : memref<1x3x56x128xf32, #tpu.memory_space<vmem>> -> memref<3x56x128xf32, #tpu.memory_space<vmem>>
      %dma_start3A_247 = arith.constant 0 : i32
      %dma_start3A_248 = arith.constant 0 : i32
      %dma_start3A_249 = tpu.memref_slice %arg4[%dma_start3A_247, %add3A_208, %dma_start3A_248] : memref<3x50176x128xf32, #tpu.memory_space<hbm>> -> memref<3x56x128xf32, #tpu.memory_space<hbm>>
      %dma_start3A_250 = tpu.memref_slice %arg9[%dma_start3A_241] : memref<2x!tpu.dma_semaphore, #tpu.memory_space<semaphore_mem>> -> memref<1x!tpu.dma_semaphore, #tpu.memory_space<semaphore_mem>>
      %dma_start3A_251 = tpu.memref_squeeze %dma_start3A_250 : memref<1x!tpu.dma_semaphore, #tpu.memory_space<semaphore_mem>> -> memref<!tpu.dma_semaphore, #tpu.memory_space<semaphore_mem>>
      %dma_start3A_252 = arith.constant 0 : i32
      %dma_start3A_253 = arith.constant 0 : i32
      %dma_start3A_254 = tpu.memref_slice %arg4[%dma_start3A_252, %add3A_208, %dma_start3A_253] : memref<3x50176x128xf32, #tpu.memory_space<hbm>> -> memref<3x56x128xf32, #tpu.memory_space<hbm>>
      %dma_start3A_255 = arith.constant 0 : i32
      %dma_start3A_256 = arith.constant 0 : i32
      %dma_start3A_257 = arith.constant 0 : i32
      %dma_start3A_258 = tpu.memref_slice %arg7[%dma_start3A_240, %dma_start3A_255, %dma_start3A_256, %dma_start3A_257] : memref<2x3x56x128xf32, #tpu.memory_space<vmem>> -> memref<1x3x56x128xf32, #tpu.memory_space<vmem>>
      %dma_start3A_259 = tpu.memref_squeeze %dma_start3A_258 : memref<1x3x56x128xf32, #tpu.memory_space<vmem>> -> memref<3x56x128xf32, #tpu.memory_space<vmem>>
      tpu.enqueue_dma source(%dma_start3A_259 : memref<3x56x128xf32, #tpu.memory_space<vmem>>) target(%dma_start3A_254 : memref<3x56x128xf32, #tpu.memory_space<hbm>>) target_semaphore(%dma_start3A_251 : memref<!tpu.dma_semaphore, #tpu.memory_space<semaphore_mem>>)
      %add3A_260 = arith.constant 2 : i32
      %add3A_261 = arith.addi %add3A_205, %add3A_260 : i32
      %lt3A_262 = arith.constant 28 : i32
      %lt3A_263 = arith.cmpi slt, %add3A_261, %lt3A_262 : i32
      %convert_element_type3A_264 = arith.extui %lt3A_263 : i1 to i32
      %cond3A_265 = arith.constant 0 : i32
      %cond3A_266 = arith.cmpi ne, %convert_element_type3A_264, %cond3A_265 : i32
      scf.if %cond3A_266 {
        %add3A_267 = arith.constant 2 : i32
        %add3A_268 = arith.addi %add3A_205, %add3A_267 : i32
        %mul3A_269 = arith.constant 56 : i32
        %mul3A_270 = arith.muli %add3A_268, %mul3A_269 : i32
        %add3A_271 = arith.addi %mul3A_2, %mul3A_270 : i32
        %dma_start3A_272 = arith.constant 1 : i32
        %dma_start3A_273 = arith.constant 1 : i32
        %dma_start3A_274 = arith.constant 0 : i32
        %dma_start3A_275 = arith.constant 0 : i32
        %dma_start3A_276 = arith.constant 0 : i32
        %dma_start3A_277 = tpu.memref_slice %arg6[%dma_start3A_272, %dma_start3A_274, %dma_start3A_275, %dma_start3A_276] : memref<2x3x56x128xf32, #tpu.memory_space<vmem>> -> memref<1x3x56x128xf32, #tpu.memory_space<vmem>>
        %dma_start3A_278 = tpu.memref_squeeze %dma_start3A_277 : memref<1x3x56x128xf32, #tpu.memory_space<vmem>> -> memref<3x56x128xf32, #tpu.memory_space<vmem>>
        %dma_start3A_279 = arith.constant 0 : i32
        %dma_start3A_280 = arith.constant 0 : i32
        %dma_start3A_281 = tpu.memref_slice %arg2[%dma_start3A_279, %add3A_271, %dma_start3A_280] : memref<3x50176x128xf32, #tpu.memory_space<hbm>> -> memref<3x56x128xf32, #tpu.memory_space<hbm>>
        %dma_start3A_282 = tpu.memref_slice %arg8[%dma_start3A_273] : memref<2x!tpu.dma_semaphore, #tpu.memory_space<semaphore_mem>> -> memref<1x!tpu.dma_semaphore, #tpu.memory_space<semaphore_mem>>
        %dma_start3A_283 = tpu.memref_squeeze %dma_start3A_282 : memref<1x!tpu.dma_semaphore, #tpu.memory_space<semaphore_mem>> -> memref<!tpu.dma_semaphore, #tpu.memory_space<semaphore_mem>>
        %dma_start3A_284 = arith.constant 0 : i32
        %dma_start3A_285 = arith.constant 0 : i32
        %dma_start3A_286 = arith.constant 0 : i32
        %dma_start3A_287 = tpu.memref_slice %arg6[%dma_start3A_272, %dma_start3A_284, %dma_start3A_285, %dma_start3A_286] : memref<2x3x56x128xf32, #tpu.memory_space<vmem>> -> memref<1x3x56x128xf32, #tpu.memory_space<vmem>>
        %dma_start3A_288 = tpu.memref_squeeze %dma_start3A_287 : memref<1x3x56x128xf32, #tpu.memory_space<vmem>> -> memref<3x56x128xf32, #tpu.memory_space<vmem>>
        %dma_start3A_289 = arith.constant 0 : i32
        %dma_start3A_290 = arith.constant 0 : i32
        %dma_start3A_291 = tpu.memref_slice %arg2[%dma_start3A_289, %add3A_271, %dma_start3A_290] : memref<3x50176x128xf32, #tpu.memory_space<hbm>> -> memref<3x56x128xf32, #tpu.memory_space<hbm>>
        tpu.enqueue_dma source(%dma_start3A_291 : memref<3x56x128xf32, #tpu.memory_space<hbm>>) target(%dma_start3A_288 : memref<3x56x128xf32, #tpu.memory_space<vmem>>) target_semaphore(%dma_start3A_283 : memref<!tpu.dma_semaphore, #tpu.memory_space<semaphore_mem>>)
      } else {
      }
    }
    %scan3A_96 = arith.constant 14 : i32
    %add3A_97 = arith.constant 1456 : i32
    %add3A_98 = arith.addi %mul3A_2, %add3A_97 : i32
    %dma_wait3A = arith.constant 0 : i32
    %dma_wait3A_99 = arith.constant 0 : i32
    %dma_wait3A_100 = arith.constant 0 : i32
    %dma_wait3A_101 = arith.constant 0 : i32
    %dma_wait3A_102 = arith.constant 0 : i32
    %dma_wait3A_103 = tpu.memref_slice %arg7[%dma_wait3A, %dma_wait3A_100, %dma_wait3A_101, %dma_wait3A_102] : memref<2x3x56x128xf32, #tpu.memory_space<vmem>> -> memref<1x3x56x128xf32, #tpu.memory_space<vmem>>
    %dma_wait3A_104 = tpu.memref_squeeze %dma_wait3A_103 : memref<1x3x56x128xf32, #tpu.memory_space<vmem>> -> memref<3x56x128xf32, #tpu.memory_space<vmem>>
    %dma_wait3A_105 = arith.constant 0 : i32
    %dma_wait3A_106 = arith.constant 0 : i32
    %dma_wait3A_107 = tpu.memref_slice %arg4[%dma_wait3A_105, %add3A_98, %dma_wait3A_106] : memref<3x50176x128xf32, #tpu.memory_space<hbm>> -> memref<3x56x128xf32, #tpu.memory_space<hbm>>
    %dma_wait3A_108 = tpu.memref_slice %arg9[%dma_wait3A_99] : memref<2x!tpu.dma_semaphore, #tpu.memory_space<semaphore_mem>> -> memref<1x!tpu.dma_semaphore, #tpu.memory_space<semaphore_mem>>
    %dma_wait3A_109 = tpu.memref_squeeze %dma_wait3A_108 : memref<1x!tpu.dma_semaphore, #tpu.memory_space<semaphore_mem>> -> memref<!tpu.dma_semaphore, #tpu.memory_space<semaphore_mem>>
    %dma_wait3A_110 = arith.constant 0 : i32
    %dma_wait3A_111 = arith.constant 0 : i32
    %dma_wait3A_112 = tpu.memref_slice %arg4[%dma_wait3A_110, %add3A_98, %dma_wait3A_111] : memref<3x50176x128xf32, #tpu.memory_space<hbm>> -> memref<3x56x128xf32, #tpu.memory_space<hbm>>
    %dma_wait3A_113 = arith.constant 0 : i32
    %dma_wait3A_114 = arith.constant 0 : i32
    %dma_wait3A_115 = arith.constant 0 : i32
    %dma_wait3A_116 = tpu.memref_slice %arg7[%dma_wait3A, %dma_wait3A_113, %dma_wait3A_114, %dma_wait3A_115] : memref<2x3x56x128xf32, #tpu.memory_space<vmem>> -> memref<1x3x56x128xf32, #tpu.memory_space<vmem>>
    %dma_wait3A_117 = tpu.memref_squeeze %dma_wait3A_116 : memref<1x3x56x128xf32, #tpu.memory_space<vmem>> -> memref<3x56x128xf32, #tpu.memory_space<vmem>>
    tpu.wait_dma2 semaphore(%dma_wait3A_109 : memref<!tpu.dma_semaphore, #tpu.memory_space<semaphore_mem>>) src(%dma_wait3A_117 : memref<3x56x128xf32, #tpu.memory_space<vmem>>) dst(%dma_wait3A_112 : memref<3x56x128xf32, #tpu.memory_space<hbm>>)
    %add3A_118 = arith.constant 1512 : i32
    %add3A_119 = arith.addi %mul3A_2, %add3A_118 : i32
    %dma_wait3A_120 = arith.constant 1 : i32
    %dma_wait3A_121 = arith.constant 1 : i32
    %dma_wait3A_122 = arith.constant 0 : i32
    %dma_wait3A_123 = arith.constant 0 : i32
    %dma_wait3A_124 = arith.constant 0 : i32
    %dma_wait3A_125 = tpu.memref_slice %arg7[%dma_wait3A_120, %dma_wait3A_122, %dma_wait3A_123, %dma_wait3A_124] : memref<2x3x56x128xf32, #tpu.memory_space<vmem>> -> memref<1x3x56x128xf32, #tpu.memory_space<vmem>>
    %dma_wait3A_126 = tpu.memref_squeeze %dma_wait3A_125 : memref<1x3x56x128xf32, #tpu.memory_space<vmem>> -> memref<3x56x128xf32, #tpu.memory_space<vmem>>
    %dma_wait3A_127 = arith.constant 0 : i32
    %dma_wait3A_128 = arith.constant 0 : i32
    %dma_wait3A_129 = tpu.memref_slice %arg4[%dma_wait3A_127, %add3A_119, %dma_wait3A_128] : memref<3x50176x128xf32, #tpu.memory_space<hbm>> -> memref<3x56x128xf32, #tpu.memory_space<hbm>>
    %dma_wait3A_130 = tpu.memref_slice %arg9[%dma_wait3A_121] : memref<2x!tpu.dma_semaphore, #tpu.memory_space<semaphore_mem>> -> memref<1x!tpu.dma_semaphore, #tpu.memory_space<semaphore_mem>>
    %dma_wait3A_131 = tpu.memref_squeeze %dma_wait3A_130 : memref<1x!tpu.dma_semaphore, #tpu.memory_space<semaphore_mem>> -> memref<!tpu.dma_semaphore, #tpu.memory_space<semaphore_mem>>
    %dma_wait3A_132 = arith.constant 0 : i32
    %dma_wait3A_133 = arith.constant 0 : i32
    %dma_wait3A_134 = tpu.memref_slice %arg4[%dma_wait3A_132, %add3A_119, %dma_wait3A_133] : memref<3x50176x128xf32, #tpu.memory_space<hbm>> -> memref<3x56x128xf32, #tpu.memory_space<hbm>>
    %dma_wait3A_135 = arith.constant 0 : i32
    %dma_wait3A_136 = arith.constant 0 : i32
    %dma_wait3A_137 = arith.constant 0 : i32
    %dma_wait3A_138 = tpu.memref_slice %arg7[%dma_wait3A_120, %dma_wait3A_135, %dma_wait3A_136, %dma_wait3A_137] : memref<2x3x56x128xf32, #tpu.memory_space<vmem>> -> memref<1x3x56x128xf32, #tpu.memory_space<vmem>>
    %dma_wait3A_139 = tpu.memref_squeeze %dma_wait3A_138 : memref<1x3x56x128xf32, #tpu.memory_space<vmem>> -> memref<3x56x128xf32, #tpu.memory_space<vmem>>
    tpu.wait_dma2 semaphore(%dma_wait3A_131 : memref<!tpu.dma_semaphore, #tpu.memory_space<semaphore_mem>>) src(%dma_wait3A_139 : memref<3x56x128xf32, #tpu.memory_space<vmem>>) dst(%dma_wait3A_134 : memref<3x56x128xf32, #tpu.memory_space<hbm>>)
    return
  }
}

</mosaic_0001>

<sc_bundles>
// kernel: _sc_gray.3.cloned.1.call-start
scs
__scs_entry_jumppad:
0x0: {  	(pc) =	sbr.rel $0x88, $3  }
0x1: {  	(tag) =	ssettag $0x0;
	lr =	simm.s32 $0x1  }
0x2: {  	[smem:$0x3F9F] =	sst lr;
	_ =	strace $0xD0000000  }
0x3: {  	_ = 	snop  }
0x4: {  	_ = 	snop  }
0x5: {  	_ = 	snop  }
0x6: {  	_ = 	snop  }
0x7: {  	_ = 	snop  }
__scs_overlays_trampoline_lowered:
0x8: {  	[smem:$0x3FAE] =	sst s0  }
0x9: {  	[smem:$0x3FAF] =	sst s1  }
0xa: {  	[smem:$0x3FB0] =	sst s2  }
0xb: {  	[smem:$0x3FB1] =	sst s3  }
0xc: {  	[smem:$0x3FB2] =	sst s4  }
0xd: {  	[smem:$0x3FB3] =	sst s5  }
0xe: {  	[smem:$0x3FB4] =	sst s6  }
0xf: {  	[smem:$0x3FB5] =	sst s7  }
0x10: {  	[smem:$0x3FB6] =	sst s8  }
0x11: {  	[smem:$0x3FB7] =	sst s9;
	s0 =	simm.s32 @!p0 $0x0  }
0x12: {  	s1 =	sld [smem:$0x3F9D];
	s0 =	simm.s32 @p0 $0x1  }
0x13: {  	[smem:$0x3FB8] =	sst s0;
	s0 =	simm.s32 @!p1 $0x0  }
0x14: {  	s2 =	sld [smem:$0x3F9C];
	s0 =	simm.s32 @p1 $0x1  }
0x15: {  	[smem:$0x3FB9] =	sst s0;
	s0 =	simm.s32 @!p2 $0x0  }
0x16: {  	s3 =	sld [smem:$0x3FDB];
	s0 =	simm.s32 @p2 $0x1  }
0x17: {  	s4 =	simm.s32 $0x1BF5;
	[smem:$0x3FBB] =	sst s0  }
0x18: {  	s0 =	sld [smem:$0x3F9E];
	_ =	swait.ge [sflag:s4], $0x0  }
0x19: {  	s7 =	sld [smem:$0x3F9F]  }
0x1a: {  	s8 =	sadd.s32 $0xFFFFE003, lr  }
0x1b: {  	s9 =	sadd.s32 $0xFFFFFEF7, lr;
	s5 =	simm.s32 $0xFFFFFFFF;
	p2 =	slt.u32 s8, $0xFFFFF086  }
0x1c: {  	p1 =	slt.u32 s9, $0xF7A;
	s5 =	simm.s32 @!p2 $0x0  }
0x1d: {  	s5 =	simm.s32 @p1 $0x1;
	p0 =	seq.s32 s7, s2  }
0x1e: {  	s7 =	smul.u32 @!p0 $0xF7A, s2;
	p2 =	seq.s32 @!p0 s5, $0x0  }
0x1f: {  	s9 =	smul.u32 $0xF7A, s1;
	s8 =	simm.s32 @!p0 $0x1BF5;
	p2 =	por !p2, p0  }
0x20: {  	[sflag:s8] =	ssyncset.s32 @!p0 $0xFFFFF086;
	s6 =	sadd.s32 @!p0 s3, s7;
	s7 =	simm.s32 @!p0 $0x108  }
0x21: {  	s3 =	sadd.s32 s3, s9;
	s6 =	sadd.s32 @!p0 $0x88, s6;
	s7 =	simm.s32 @p2 $0x1082  }
0x22: {  	[simem:s7], [sflag:s8] =	dma.local @!p0 [hbm:s6], $0xF7A  }
0x23: {  	s9 =	sor.u32 $0xD0000000, s2;
	s6 =	simm.s32 $0x108;
	_ =	swait.ge @!p0 [sflag:s8], $0x0  }
0x24: {  	s3 =	sadd.s32 $0x88, s3;
	s6 =	simm.s32 @!p1 $0x1082;
	[sflag:s4] =	ssyncset.s32 $0xFFFFF086  }
0x25: {  	[simem:s6], [sflag:s4] =	dma.local [hbm:s3], $0xF7A  }
0x26: {  	[smem:$0x3F9F] =	sst s1;
	(tag) =	ssettag s2;
	_ =	strace s9  }
0x27: {  	s1 =	sld [smem:$0x3FAF]  }
0x28: {  	s2 =	sld [smem:$0x3FB0]  }
0x29: {  	s4 =	sld [smem:$0x3FB2]  }
0x2a: {  	p0 =	seq.s32 s5, $0x0;
	s5 =	sld [smem:$0x3FB3]  }
0x2b: {  	s6 =	sld [smem:$0x3FB4]  }
0x2c: {  	s7 =	sld [smem:$0x3FB5]  }
0x2d: {  	s3 =	simm.s32 $0x108;
	s8 =	sld [smem:$0x3FB6]  }
0x2e: {  	s3 =	simm.s32 @!p0 $0x1082;
	s9 =	sld [smem:$0x3FB7]  }
0x2f: {  	lr =	sadd.s32 s0, s3;
	s0 =	sld [smem:$0x3FAE]  }
0x30: {  	s3 =	sld [smem:$0x3FB1]  }
0x31: {  	[smem:$0x3FBA] =	sst s10  }
0x32: {  	s10 =	sld [smem:$0x3FB8];
	_ =	sdelay $0x3  }
0x33: {  	p0 =	seq.s32 s10, $0x1;
	s10 =	sld [smem:$0x3FBA];
	_ =	sdelay $0x3  }
0x34: {  	[smem:$0x3FBA] =	sst s10  }
0x35: {  	s10 =	sld [smem:$0x3FB9];
	_ =	sdelay $0x3  }
0x36: {  	p1 =	seq.s32 s10, $0x1;
	s10 =	sld [smem:$0x3FBA];
	_ =	sdelay $0x3  }
0x37: {  	[smem:$0x3FBA] =	sst s10  }
0x38: {  	s10 =	sld [smem:$0x3FBB]  }
0x39: {  	_ = 	snop;
	(pc) =	sbr.ind lr, $3  }
0x3a: {  	_ = 	snop  }
0x3b: {  	_ = 	snop  }
0x3c: {  	p2 =	seq.s32 s10, $0x1;
	s10 =	sld [smem:$0x3FBA]  }
0x3d: {  	_ =	shalt  }
0x3e: {  	_ =	shalt  }
0x3f: {  	_ =	shalt  }
0x40: {  	_ =	shalt  }
0x41: {  	_ =	shalt  }
0x42: {  	_ =	shalt  }
0x43: {  	_ =	shalt  }
0x44: {  	_ =	shalt  }
0x45: {  	_ =	shalt  }
0x46: {  	_ =	shalt  }
0x47: {  	_ =	shalt  }
0x48: {  	_ =	shalt  }
0x49: {  	_ =	shalt  }
0x4a: {  	_ =	shalt  }
0x4b: {  	_ =	shalt  }
0x4c: {  	_ =	shalt  }
0x4d: {  	_ =	shalt  }
0x4e: {  	_ =	shalt  }
0x4f: {  	_ =	shalt  }
0x50: {  	_ =	shalt  }
0x51: {  	_ =	shalt  }
0x52: {  	_ =	shalt  }
0x53: {  	_ =	shalt  }
0x54: {  	_ =	shalt  }
0x55: {  	_ =	shalt  }
0x56: {  	_ =	shalt  }
0x57: {  	_ =	shalt  }
0x58: {  	_ =	shalt  }
0x59: {  	_ =	shalt  }
0x5a: {  	_ =	shalt  }
0x5b: {  	_ =	shalt  }
0x5c: {  	_ =	shalt  }
0x5d: {  	_ =	shalt  }
0x5e: {  	_ =	shalt  }
0x5f: {  	_ =	shalt  }
0x60: {  	_ =	shalt  }
0x61: {  	_ =	shalt  }
0x62: {  	_ =	shalt  }
0x63: {  	_ =	shalt  }
0x64: {  	_ =	shalt  }
0x65: {  	_ =	shalt  }
0x66: {  	_ =	shalt  }
0x67: {  	_ =	shalt  }
0x68: {  	_ =	shalt  }
0x69: {  	_ =	shalt  }
0x6a: {  	_ =	shalt  }
0x6b: {  	_ =	shalt  }
0x6c: {  	_ =	shalt  }
0x6d: {  	_ =	shalt  }
0x6e: {  	_ =	shalt  }
0x6f: {  	_ =	shalt  }
0x70: {  	_ =	shalt  }
0x71: {  	_ =	shalt  }
0x72: {  	_ =	shalt  }
0x73: {  	_ =	shalt  }
0x74: {  	_ =	shalt  }
0x75: {  	_ =	shalt  }
0x76: {  	_ =	shalt  }
0x77: {  	_ =	shalt  }
0x78: {  	_ =	shalt  }
0x79: {  	_ =	shalt  }
0x7a: {  	_ =	shalt  }
0x7b: {  	_ =	shalt  }
0x7c: {  	_ =	shalt  }
0x7d: {  	_ =	shalt  }
0x7e: {  	_ =	shalt  }
0x7f: {  	_ =	shalt  }
0x80: {  	_ =	shalt  }
0x81: {  	_ =	shalt  }
0x82: {  	_ =	shalt  }
0x83: {  	_ =	shalt  }
0x84: {  	_ =	shalt  }
0x85: {  	_ =	shalt  }
0x86: {  	_ =	shalt  }
0x87: {  	_ =	shalt  }
.Lfunc_end0:
.L_simem_size_0:
called_computation_lowered:
.L_overlay_start_0:
0x88: {  	s2 =	sld [smem:$0x3FD9]  }
0x89: {  	s3 =	sld [smem:$0x3FFE];
	_ =	sdelay $0x1  }
0x8a: {  	s1 =	srdreg.scid  }
0x8b: {  	s0 =	sand.u32 $0x1, s1  }
0x8c: {  	s18 =	sshll.u32 s0, $0xA;
	s2 =	sadd.s32 s3, s2  }
0x8d: {  	s2 =	sadd.s32 s2, s18  }
0x8e: {  	[smem:$0x3FC6] =	sst s2  }
0x8f: {  	_ = 	snop  }
0x90: {  	s2 =	sld [smem:$0x3FC9]  }
0x91: {  	s19 =	sld [smem:$0x3FC8]  }
0x92: {  	s4 =	sld [smem:$0x3FD0];
	(tm) =	ssettm $0x1  }
0x93: {  	s5 =	sld [smem:$0x3FFB];
	_ =	sdelay $0x3  }
0x94: {  	_ =	strace s5  }
0x95: {  	s5 =	sld [smem:$0x3FFC];
	_ =	sdelay $0x3  }
0x96: {  	_ =	strace s5  }
0x97: {  	s5 =	sld [smem:$0x3FFD];
	_ =	sdelay $0x3  }
0x98: {  	_ =	strace s5  }
0x99: {  	_ =	strace $0x8FFFFFFF  }
0x9a: {  	s20 =	sld [smem:$0x3FDB];
	_ =	sdelay $0x1  }
0x9b: {  	s6 =	simm.s32 $_scs_section_size  }
0x9c: {  	s7 =	simm.s32 $_size__tile_overlayer_lowered;
	s8 =	simm.s32 $_tile_overlayer_lowered  }
0x9d: {  	s23 =	simm.s32 $0x1BFF;
	s22 =	sshll.u32 s8, $0x1;
	s5 =	sadd.s32 s6, s20  }
0x9e: {  	s9 =	simm.s32 $0x0;
	s21 =	sshll.u32 s7, $0x1;
	s7 =	sadd.s32 s22, s5  }
0x9f: {  	[timem:s9], [sflag:s23] =	dma.local [hbm:s7], s21  }
0xa0: {  	_ =	swait.ge [sflag:s23], s21  }
0xa1: {  	s6 =	ssub.s32 $0x0, s21;
	[sflag:s23] =	ssyncset.done $0x0  }
0xa2: {  	[sflag:s23] =	ssyncadd.s32 s6;
	_ =	sdelay $0x1  }
0xa3: {  	s24 =	simm.s32 $0x1B8B  }
0xa4: {  	_ =	swait.ge [sflag:s24], $0x1  }
0xa5: {  	[sflag:s24] =	ssyncset.done $0x0  }
0xa6: {  	s25 =	simm.s32 $0x1B8E;
	[sflag:s24] =	ssyncadd.s32 $0xFFFFFFFF  }
0xa7: {  	s26 =	simm.s32 $execute0_lowered;
	[smem:$0x3FD2] =	sst s25  }
0xa8: {  	s6 =	sshll.u32 s26, $0x1;
	_ =	strace $0x80000046;
	[dreg:$0x1] =	wrdreg $0xFFFFFFFF  }
0xa9: {  	s28 =	simm.s32 $_size_execute0_lowered;
	s5 =	sadd.s32 s5, s6;
	[dreg:$0x0] =	wrdreg $0x0  }
0xaa: {  	s6 =	sshll.u32 s28, $0x1;
	[dreg:$0x2] =	wrdreg s5  }
0xab: {  	[dreg:$0x3] =	wrdreg s6  }
0xac: {  	[dreg:$0x4] =	wrdreg $0xC0  }
0xad: {  	_ =	task [dreg:s9], $0x5FFFF  }
0xae: {  	[dreg:$0x1] =	wrdreg $0xFFFFFFFF  }
0xaf: {  	[dreg:$0x0] =	wrdreg $0x60  }
0xb0: {  	[dreg:$0x2] =	wrdreg s2  }
0xb1: {  	[dreg:$0x3] =	wrdreg s19  }
0xb2: {  	[dreg:$0x4] =	wrdreg s4  }
0xb3: {  	[dreg:$0x5] =	wrdreg $0x9  }
0xb4: {  	_ =	task.clear_ibuf [dreg:s9], $0x6FFFF;
	_ =	strace $0x90000046  }
0xb5: {  	s29 =	simm.s32 $0x9;
	_ =	strace $0x80000048  }
0xb6: {  	_ =	swait.ge [sflag:s29], $0x1  }
0xb7: {  	[sflag:s29] =	ssyncadd.s32 $0xFFFFFFFF  }
0xb8: {  	_ =	strace $0x90000048  }
0xb9: {  	_ =	sfence  }
0xba: {  	s30 =	sld [smem:$0x0];
	_ =	sdelay $0x2  }
0xbb: {  	s31 =	sshll.u32 s1, $0xD;
	s1 =	sshrl.u32 s1, $0x2  }
0xbc: {  	s3 =	sand.u32 $0x4000, s31;
	s1 =	sadd.s32 s1, s30  }
0xbd: {  	s0 =	sor.u32 s3, s0;
	s1 =	sshll.u32 s1, $0x11  }
0xbe: {  	s0 =	sor.u32 s1, s0  }
0xbf: {  	s0 =	sadd.s32 $0x8F2B, s0  }
0xc0: {  	[sflag:s0] =	ssyncadd.remote.s32 $0x1  }
0xc1: {  	_ =	sfence.sel $0xFFFF  }
0xc2: {  	[dreg:$0x0] =	wrdreg $0xFFFFFFFF;
	(pc) =	sbr.abs _section_cstart, $3  }
0xc3: {  	[dreg:$0x1] =	wrdreg $0xFFFFFFFF  }
0xc4: {  	_ =	task.clear_ibuf [dreg:s9], $0x2FFFF;
	_ =	strace $0x9FFFFFFF  }
0xc5: {  	(tm) =	ssettm $0x7FFFFFFF  }
tec
execute0_lowered:
.L_overlay_start_1:
0x0: {  	(tag) =	ssettag $0x1  }
0x1: {  	s1 =	rddreg [dreg:$0x0]  }
0x2: {  	s2 =	srdreg.scid;
	s3 =	rddreg [dreg:$0x1]  }
0x3: {  	s0 =	stileid.u32;
	s4 =	rddreg [dreg:$0x2]  }
0x4: {  	s5 =	simm.s32 $0x0;
	s13 =	simm.s32 $0x5;
	s14 =	simm.s32 $0x1C00  }
0x5: {  	s15 =	simm.s32 $0x620000;
	s6 =	sand.u32 $0x1, s2;
	s31 =	sshll.u32 s0, $0x1  }
0x6: {  	s16 =	simm.s32 $0x80;
	s17 =	simm.s32 $0x5480;
	s7 =	sor.u32 s6, s31  }
0x7: {  	s18 =	simm.s32 $0x1;
	s19 =	simm.s32 $0xA880;
	s8 =	smul.u32 $0x31000, s7  }
0x8: {  	s20 =	simm.s32 $0x2;
	s9 =	ssub.s32 $0x2, s6;
	s6 =	smul.u32 $0x620, s7  }
0x9: {  	s21 =	simm.s32 $0xFC80;
	s22 =	simm.s32 $0x3;
	s7 =	smul.u32 $0x6200, s7  }
.Ltmp0:
0xa: {  	s23 =	simm.s32 $0x4;
	[smem:$0x7FF] =	sst s5;
	(pc) =	sbr.rel .LBB2_1-.Ltmp0, $4  }
0xb: {  	s24 =	simm.s32 $0x0;
	_ =	strace $0x80000047;
	s10 =	sshrl.u32 s9, $0x1  }
0xc: {  	s12 =	ssub.s32 s9, s10;
	s8 =	sshrl.u32 s8, $0x3;
	s7 =	sadd.s32 s1, s7  }
0xd: {  	s9 =	sadd.s32 $0x70, s6;
	s10 =	sadd.s32 $0x38, s6;
	s8 =	sadd.s32 s1, s8  }
0xe: {  	s11 =	sadd.s32 $0xA8, s6;
	s12 =	smax.u32 s12, $0x1;
	s8 =	sadd.s32 $0x380, s8  }
.LBB2_8:
0xf: {  	s24 =	sadd.s32 $0x1, s24  }
0x10: {  	_ =	swait.ge [sflag:s22], $0x5400;
	p0 =	sne.s32 s24, s12  }
.Ltmp1:
0x11: {  	[sflag:s22] =	ssyncset.done $0x0;
	(pc) =	sbr.rel @!p0 .LBB2_9-.Ltmp1, $4  }
0x12: {  	[sflag:s22] =	ssyncadd.s32 $0xFFFFAC00  }
0x13: {  	_ =	swait.ge [sflag:s23], $0x5400  }
0x14: {  	[sflag:s23] =	ssyncset.done $0x0  }
0x15: {  	[sflag:s23] =	ssyncadd.s32 $0xFFFFAC00  }
.LBB2_1:
0x16: {  	[tilespmem:s5], [sflag:$0x5] =	stream.linear.gather [hbm4b:s3+s5], $0x80, $0x38;
	[tilespmem:$0x15080] =	vst v63  }
0x17: {  	_ =	swait.ge [sflag:s13], $0x80  }
0x18: {  	[sflag:s13] =	ssyncset.done $0x0  }
0x19: {  	[sflag:s13] =	ssyncadd.s32 $0xFFFFFF80  }
0x1a: {  	v0 =	vld [tilespmem:$0x0]  }
0x1b: {  	v1 =	vld [tilespmem:$0x10]  }
0x1c: {  	v2 =	vld [tilespmem:$0x30]  }
0x1d: {  	v3 =	vld [tilespmem:$0x40]  }
0x1e: {  	v4 =	vld [tilespmem:$0x60]  }
0x1f: {  	v5 =	vld [tilespmem:$0x70]  }
0x20: {  	v6 =	vld [tilespmem:$0x50]  }
0x21: {  	v7 =	vld [tilespmem:$0x20];
	_ =	sdelay $0x2  }
0x22: {  	[tilespmem:s16], [sflag:$0x1] =	stream.strided.gather [hbm4b:s7+s14], $0x5400, s15, s14, $0x38;
	vm0 =	vgt.f32 v5, $5.000000000e-01;
	vm1 =	vgt.f32 v4, $5.000000000e-01;
	[tilespmem:$0x15080] =	vst v63  }
0x23: {  	s25 =	simm.s32 $0x0;
	vm2 =	vgt.f32 v6, $5.000000000e-01;
	vm3 =	vgt.f32 v3, $5.000000000e-01;
	vm4 =	vgt.f32 v2, $5.000000000e-01  }
0x24: {  	[tilespmem:s17], [sflag:$0x2] =	stream.strided.gather [hbm4b:s8+s14], $0x5400, s15, s14, $0x38;
	vm5 =	vgt.f32 v7, $5.000000000e-01;
	vm6 =	vgt.f32 v1, $5.000000000e-01;
	vm7 =	vgt.f32 v0, $5.000000000e-01;
	[tilespmem:$0x15080] =	vst v63  }
.LBB2_2:
0x25: {  	_ =	swait.ge [sflag:s18], $0x5400  }
0x26: {  	p0 =	seq.s32 s25, $0x0;
	[sflag:s18] =	ssyncset.done $0x0  }
0x27: {  	s26 =	simm.s32 @!p0 $0x3;
	[sflag:s18] =	ssyncadd.s32 $0xFFFFAC00  }
0x28: {  	_ =	swait.ge @!p0 [sflag:s26], $0x5400  }
0x29: {  	[sflag:s26] =	ssyncset.done @!p0 $0x0  }
0x2a: {  	s30 =	simm.s32 $0xFFFFE400;
	[sflag:s26] =	ssyncadd.s32 @!p0 $0xFFFFAC00  }
0x2b: {  	v12 =	vld [tilespmem:s30+$0x1CF0]  }
0x2c: {  	v15 =	vld [tilespmem:s30+$0x38F0]  }
0x2d: {  	v13 =	vld [tilespmem:s30+$0x1C80]  }
0x2e: {  	v1 =	vld [tilespmem:s30+$0x54F0]  }
0x2f: {  	v14 =	vld [tilespmem:s30+$0x3880]  }
0x30: {  	v10 =	vld [tilespmem:s30+$0x1C90]  }
0x31: {  	v11 =	vld [tilespmem:s30+$0x3890]  }
0x32: {  	v8 =	vld [tilespmem:s30+$0x1CA0]  }
0x33: {  	v6 =	vld [tilespmem:s30+$0x38A0]  }
0x34: {  	v3 =	vld [tilespmem:s30+$0x1CB0]  }
0x35: {  	v9 =	vld [tilespmem:s30+$0x1CC0];
	v0 =	vmul.f32 $2.989999950e-01, v12;
	v2 =	vmul.f32 $5.870000120e-01, v15  }
0x36: {  	v7 =	vld [tilespmem:s30+$0x38C0]  }
0x37: {  	v5 =	vld [tilespmem:s30+$0x1CD0];
	v4 =	vmul.f32 $1.140000000e-01, v1;
	v2 =	vadd.f32 v2, v0  }
0x38: {  	v0 =	vld [tilespmem:s30+$0x38B0]  }
0x39: {  	v27 =	vld [tilespmem:s30+$0x5480];
	v21 =	vadd.f32 v4, v2  }
0x3a: {  	v16 =	vmul.f32 $2.989999950e-01, v13;
	v17 =	vmul.f32 $5.870000120e-01, v14;
	v4 =	vld [tilespmem:s30+$0x38D0]  }
0x3b: {  	v18 =	vmul.f32 $2.989999950e-01, v10;
	v19 =	vmul.f32 $5.870000120e-01, v11;
	v2 =	vld [tilespmem:s30+$0x1CE0];
	v1 =	vsel vm0, v21, v1  }
0x3c: {  	v22 =	vmul.f32 $2.989999950e-01, v8;
	v23 =	vmul.f32 $5.870000120e-01, v6;
	[tilespmem:s30+$0xFCF0] =	vst v1;
	v1 =	vld [tilespmem:s30+$0x38E0]  }
0x3d: {  	v20 =	vld [tilespmem:s30+$0x5490];
	v30 =	vadd.f32 v17, v16;
	v16 =	vmul.f32 $2.989999950e-01, v3;
	v17 =	vmul.f32 $5.870000120e-01, v0  }
0x3e: {  	v31 =	vmul.f32 $2.989999950e-01, v5;
	v26 =	vadd.f32 v19, v18;
	v25 =	vadd.f32 v23, v22;
	v19 =	vld [tilespmem:s30+$0x54A0]  }
0x3f: {  	v22 =	vmul.f32 $2.989999950e-01, v9;
	v18 =	vld [tilespmem:s30+$0x54B0];
	v24 =	vadd.f32 v17, v16;
	v16 =	vmul.f32 $5.870000120e-01, v7  }
0x40: {  	v34 =	vmul.f32 $1.140000000e-01, v27;
	v28 =	vsel vm0, v21, v12;
	v12 =	vmul.f32 $5.870000120e-01, v4;
	v17 =	vld [tilespmem:s30+$0x54C0]  }
0x41: {  	s26 =	smul.u32 $0x70, s25;
	v33 =	vmul.f32 $2.989999950e-01, v2;
	v23 =	vadd.f32 v16, v22;
	v16 =	vld [tilespmem:s30+$0x54D0];
	v22 =	vmul.f32 $5.870000120e-01, v1  }
0x42: {  	s28 =	simm.s32 $0xFFFFE480;
	v32 =	vmul.f32 $1.140000000e-01, v20;
	v29 =	vsel vm0, v21, v15;
	v21 =	vadd.f32 v12, v31;
	v12 =	vld [tilespmem:s30+$0x54E0]  }
0x43: {  	s31 =	simm.s32 $0xFFFF9400;
	s29 =	sadd.s32 s6, s26;
	v30 =	vadd.f32 v34, v30;
	v15 =	vld [tilespmem:s28+$0x1CF0];
	v31 =	vmul.f32 $1.140000000e-01, v19;
	v22 =	vadd.f32 v22, v33  }
.LBB2_3:
0x44: {  	p1 =	sne.s32 s31, $0xFFFFFE00;
	v33 =	vld [tilespmem:s28+$0x38F0];
	v26 =	vadd.f32 v32, v26;
	v32 =	vmul.f32 $1.140000000e-01, v18;
	[tilespmem:s30+$0xC4F0] =	vst v28  }
0x45: {  	v28 =	vsel vm7, v30, v13;
	v13 =	vld [tilespmem:s28+$0x1C80];
	v25 =	vadd.f32 v31, v25;
	v31 =	vmul.f32 $1.140000000e-01, v17;
	[tilespmem:s30+$0xE0F0] =	vst v29  }
0x46: {  	v29 =	vld [tilespmem:s28+$0x54F0];
	[tilespmem:s30+$0xC480] =	vst v28;
	v28 =	vsel vm7, v30, v14;
	v24 =	vadd.f32 v32, v24;
	v32 =	vmul.f32 $1.140000000e-01, v16  }
0x47: {  	v27 =	vsel vm7, v30, v27;
	v14 =	vld [tilespmem:s28+$0x3880];
	[tilespmem:s30+$0xE080] =	vst v28;
	v23 =	vadd.f32 v31, v23;
	v28 =	vmul.f32 $1.140000000e-01, v12  }
0x48: {  	v30 =	vsel vm6, v26, v11;
	[tilespmem:s30+$0xFC80] =	vst v27;
	v27 =	vsel vm6, v26, v10;
	v10 =	vld [tilespmem:s28+$0x1C90];
	v21 =	vadd.f32 v32, v21  }
0x49: {  	v31 =	vmul.f32 $2.989999950e-01, v15;
	v11 =	vld [tilespmem:s28+$0x3890];
	v32 =	vmul.f32 $5.870000120e-01, v33;
	[tilespmem:s30+$0xC490] =	vst v27;
	v22 =	vadd.f32 v28, v22  }
0x4a: {  	v20 =	vsel vm6, v26, v20;
	v26 =	vsel vm5, v25, v8;
	v27 =	vmul.f32 $2.989999950e-01, v13;
	[tilespmem:s30+$0xE090] =	vst v30;
	v8 =	vld [tilespmem:s28+$0x1CA0]  }
0x4b: {  	v28 =	vadd.f32 v32, v31;
	v30 =	vmul.f32 $1.140000000e-01, v29;
	[tilespmem:s30+$0xFC90] =	vst v20;
	v20 =	vsel vm5, v25, v6;
	v6 =	vld [tilespmem:s28+$0x38A0]  }
0x4c: {  	v19 =	vsel vm5, v25, v19;
	v25 =	vsel vm4, v24, v3;
	v31 =	vmul.f32 $5.870000120e-01, v14;
	[tilespmem:s30+$0xC4A0] =	vst v26;
	v3 =	vld [tilespmem:s28+$0x1CB0]  }
0x4d: {  	v26 =	vmul.f32 $2.989999950e-01, v10;
	v30 =	vadd.f32 v30, v28;
	[tilespmem:s30+$0xE0A0] =	vst v20;
	v20 =	vsel vm4, v24, v0;
	v0 =	vld [tilespmem:s28+$0x38B0]  }
0x4e: {  	v18 =	vsel vm4, v24, v18;
	v31 =	vadd.f32 v31, v27;
	v27 =	vmul.f32 $5.870000120e-01, v11;
	v28 =	vld [tilespmem:s28+$0x1CC0];
	[tilespmem:s30+$0xFCA0] =	vst v19  }
0x4f: {  	v9 =	vsel vm3, v23, v9;
	v19 =	vmul.f32 $2.989999950e-01, v8;
	v32 =	vld [tilespmem:s28+$0x38C0];
	v24 =	vsel vm0, v30, v29;
	[tilespmem:s30+$0xC4B0] =	vst v25  }
0x50: {  	v7 =	vsel vm3, v23, v7;
	v26 =	vadd.f32 v27, v26;
	v25 =	vmul.f32 $5.870000120e-01, v6;
	v29 =	vld [tilespmem:s28+$0x1CD0];
	[tilespmem:s28+$0xFCF0] =	vst v24  }
0x51: {  	v17 =	vsel vm3, v23, v17;
	v35 =	vsel vm2, v21, v5;
	v24 =	vmul.f32 $2.989999950e-01, v3;
	v34 =	vld [tilespmem:s28+$0x38D0];
	[tilespmem:s30+$0xE0B0] =	vst v20  }
0x52: {  	v37 =	vsel vm2, v21, v4;
	v25 =	vadd.f32 v25, v19;
	v19 =	vmul.f32 $5.870000120e-01, v0;
	v36 =	vld [tilespmem:s28+$0x1CE0];
	[tilespmem:s30+$0xFCB0] =	vst v18  }
0x53: {  	v16 =	vsel vm2, v21, v16;
	v39 =	vsel vm1, v22, v2;
	v18 =	vmul.f32 $2.989999950e-01, v28;
	v38 =	vld [tilespmem:s28+$0x38E0];
	[tilespmem:s30+$0xC4C0] =	vst v9;
	v9 =	vmovc v28  }
0x54: {  	v40 =	vsel vm1, v22, v1;
	v27 =	vld [tilespmem:s28+$0x5480];
	v24 =	vadd.f32 v19, v24;
	v21 =	vmul.f32 $5.870000120e-01, v32;
	[tilespmem:s30+$0xE0C0] =	vst v7;
	v7 =	vmovc v32  }
0x55: {  	v41 =	vsel vm1, v22, v12;
	v28 =	vsel vm0, v30, v15;
	v20 =	vld [tilespmem:s28+$0x5490];
	v32 =	vmul.f32 $2.989999950e-01, v29;
	[tilespmem:s30+$0xFCC0] =	vst v17;
	v5 =	vmovc v29  }
0x56: {  	v29 =	vsel vm0, v30, v33;
	v19 =	vld [tilespmem:s28+$0x54A0];
	v23 =	vadd.f32 v21, v18;
	v12 =	vmul.f32 $5.870000120e-01, v34;
	[tilespmem:s30+$0xC4D0] =	vst v35;
	v4 =	vmovc v34  }
.Ltmp2:
0x57: {  	v18 =	vld [tilespmem:s28+$0x54B0];
	v15 =	vmul.f32 $2.989999950e-01, v36;
	[tilespmem:s30+$0xE0D0] =	vst v37;
	v2 =	vmov v36;
	(pc) =	sbr.rel @p1 .LBB2_3-.Ltmp2, $4  }
0x58: {  	v17 =	vld [tilespmem:s28+$0x54C0];
	v21 =	vadd.f32 v12, v32;
	v22 =	vmul.f32 $5.870000120e-01, v38;
	[tilespmem:s30+$0xFCD0] =	vst v16;
	v1 =	vmov v38  }
0x59: {  	v30 =	vmul.f32 $1.140000000e-01, v27;
	v16 =	vld [tilespmem:s28+$0x54D0];
	[tilespmem:s30+$0xC4E0] =	vst v39  }
0x5a: {  	s2 =	sshra.s32 s31, $0x2;
	v32 =	vmul.f32 $1.140000000e-01, v20;
	v12 =	vld [tilespmem:s28+$0x54E0];
	v22 =	vadd.f32 v22, v15;
	[tilespmem:s30+$0xE0E0] =	vst v40  }
0x5b: {  	s31 =	sadd.s32 $0x200, s31;
	v15 =	vld [tilespmem:s2+$0x1CF0];
	v30 =	vadd.f32 v30, v31;
	v31 =	vmul.f32 $1.140000000e-01, v19;
	[tilespmem:s30+$0xFCE0] =	vst v41;
	s30 =	smov.u32 s28;
	s28 =	smov.u32 s2  }
0x5c: {  	v33 =	vld [tilespmem:s28+$0x38F0];
	[tilespmem:s30+$0xC4F0] =	vst v28  }
0x5d: {  	v28 =	vld [tilespmem:s28+$0x1C80];
	[tilespmem:s30+$0xE0F0] =	vst v29;
	v13 =	vsel vm7, v30, v13  }
0x5e: {  	v29 =	vld [tilespmem:s28+$0x54F0];
	[tilespmem:s30+$0xC480] =	vst v13;
	v13 =	vsel vm7, v30, v14  }
0x5f: {  	v14 =	vld [tilespmem:s28+$0x3880];
	[tilespmem:s30+$0xE080] =	vst v13;
	v13 =	vadd.f32 v32, v26  }
0x60: {  	v26 =	vsel vm7, v30, v27  }
0x61: {  	v27 =	vld [tilespmem:s28+$0x1C90];
	[tilespmem:s30+$0xFC80] =	vst v26;
	v10 =	vsel vm6, v13, v10  }
0x62: {  	v26 =	vld [tilespmem:s28+$0x3890];
	[tilespmem:s30+$0xC490] =	vst v10;
	v10 =	vsel vm6, v13, v11  }
0x63: {  	v11 =	vld [tilespmem:s28+$0x1CA0];
	[tilespmem:s30+$0xE090] =	vst v10;
	v10 =	vadd.f32 v31, v25  }
0x64: {  	v13 =	vsel vm6, v13, v20  }
0x65: {  	v20 =	vld [tilespmem:s28+$0x38A0];
	[tilespmem:s30+$0xFC90] =	vst v13;
	v8 =	vsel vm5, v10, v8  }
0x66: {  	v30 =	vmul.f32 $5.870000120e-01, v33;
	v13 =	vld [tilespmem:s28+$0x1CB0];
	[tilespmem:s30+$0xC4A0] =	vst v8;
	v8 =	vmul.f32 $2.989999950e-01, v15  }
0x67: {  	v25 =	vmul.f32 $1.140000000e-01, v18;
	v6 =	vsel vm5, v10, v6  }
0x68: {  	v31 =	vld [tilespmem:s28+$0x38B0];
	[tilespmem:s30+$0xE0A0] =	vst v6;
	v6 =	vadd.f32 v30, v8;
	v8 =	vmul.f32 $1.140000000e-01, v29  }
0x69: {  	v24 =	vadd.f32 v25, v24  }
0x6a: {  	v10 =	vsel vm5, v10, v19;
	v6 =	vadd.f32 v8, v6  }
0x6b: {  	v3 =	vsel vm4, v24, v3;
	v19 =	vld [tilespmem:s28+$0x1CC0];
	[tilespmem:s30+$0xFCA0] =	vst v10  }
0x6c: {  	v8 =	vld [tilespmem:s28+$0x38C0];
	[tilespmem:s30+$0xC4B0] =	vst v3;
	v3 =	vsel vm0, v6, v29  }
0x6d: {  	[tilespmem:s28+$0xFCF0] =	vst v3;
	v3 =	vmul.f32 $1.140000000e-01, v17  }
0x6e: {  	v0 =	vsel vm4, v24, v0;
	v10 =	vld [tilespmem:s28+$0x1CD0]  }
0x6f: {  	v25 =	vld [tilespmem:s28+$0x38D0];
	[tilespmem:s30+$0xE0B0] =	vst v0;
	v0 =	vadd.f32 v3, v23  }
0x70: {  	v3 =	vsel vm4, v24, v18  }
0x71: {  	v18 =	vld [tilespmem:s28+$0x1CE0];
	[tilespmem:s30+$0xFCB0] =	vst v3;
	v3 =	vsel vm3, v0, v9  }
0x72: {  	v9 =	vld [tilespmem:s28+$0x38E0];
	[tilespmem:s30+$0xC4C0] =	vst v3;
	v3 =	vmul.f32 $1.140000000e-01, v16;
	_ =	sdelay $0x1  }
0x73: {  	v7 =	vsel vm3, v0, v7;
	v3 =	vadd.f32 v3, v21  }
0x74: {  	v0 =	vsel vm3, v0, v17;
	v23 =	vld [tilespmem:s28+$0x5480];
	[tilespmem:s30+$0xE0C0] =	vst v7  }
0x75: {  	v7 =	vld [tilespmem:s28+$0x5490];
	[tilespmem:s30+$0xFCC0] =	vst v0;
	v0 =	vsel vm2, v3, v5  }
0x76: {  	v5 =	vld [tilespmem:s28+$0x54A0];
	[tilespmem:s30+$0xC4D0] =	vst v0;
	v0 =	vmul.f32 $1.140000000e-01, v12  }
0x77: {  	v4 =	vsel vm2, v3, v4  }
0x78: {  	v3 =	vsel vm2, v3, v16;
	v17 =	vld [tilespmem:s28+$0x54B0];
	[tilespmem:s30+$0xE0D0] =	vst v4;
	v0 =	vadd.f32 v0, v22  }
0x79: {  	v16 =	vmul.f32 $5.870000120e-01, v14;
	v4 =	vld [tilespmem:s28+$0x54C0];
	[tilespmem:s30+$0xFCD0] =	vst v3;
	v3 =	vmul.f32 $2.989999950e-01, v28  }
0x7a: {  	v2 =	vsel vm1, v0, v2  }
0x7b: {  	v21 =	vld [tilespmem:s28+$0x54D0];
	v1 =	vsel vm1, v0, v1;
	[tilespmem:s30+$0xC4E0] =	vst v2;
	v2 =	vadd.f32 v16, v3;
	v3 =	vmul.f32 $1.140000000e-01, v23  }
0x7c: {  	v24 =	vmul.f32 $5.870000120e-01, v26;
	v22 =	vmul.f32 $2.989999950e-01, v27;
	v0 =	vsel vm1, v0, v12;
	v16 =	vld [tilespmem:s28+$0x54E0];
	[tilespmem:s30+$0xE0E0] =	vst v1  }
0x7d: {  	v1 =	vsel vm0, v6, v15;
	[tilespmem:s30+$0xFCE0] =	vst v0;
	v2 =	vadd.f32 v3, v2  }
0x7e: {  	v0 =	vadd.f32 v24, v22;
	v3 =	vsel vm0, v6, v33;
	v6 =	vmul.f32 $1.140000000e-01, v7;
	[tilespmem:s28+$0xC4F0] =	vst v1  }
0x7f: {  	v12 =	vmul.f32 $5.870000120e-01, v20;
	v1 =	vmul.f32 $2.989999950e-01, v11;
	[tilespmem:s28+$0xE0F0] =	vst v3;
	v15 =	vsel vm7, v2, v28  }
0x80: {  	v0 =	vadd.f32 v6, v0;
	v3 =	vsel vm7, v2, v14;
	[tilespmem:s28+$0xC480] =	vst v15  }
0x81: {  	v1 =	vadd.f32 v12, v1;
	v6 =	vmul.f32 $1.140000000e-01, v5;
	v2 =	vsel vm7, v2, v23;
	[tilespmem:s28+$0xE080] =	vst v3  }
0x82: {  	v12 =	vmul.f32 $5.870000120e-01, v31;
	v3 =	vmul.f32 $2.989999950e-01, v13;
	[tilespmem:s28+$0xFC80] =	vst v2;
	v2 =	vsel vm6, v0, v27  }
0x83: {  	v1 =	vadd.f32 v6, v1;
	v6 =	vsel vm6, v0, v26;
	[tilespmem:s28+$0xC490] =	vst v2  }
0x84: {  	v0 =	vsel vm6, v0, v7;
	v2 =	vadd.f32 v12, v3;
	v3 =	vmul.f32 $1.140000000e-01, v17;
	[tilespmem:s28+$0xE090] =	vst v6  }
0x85: {  	v7 =	vmul.f32 $5.870000120e-01, v8;
	v6 =	vmul.f32 $2.989999950e-01, v19;
	[tilespmem:s28+$0xFC90] =	vst v0;
	v11 =	vsel vm5, v1, v11  }
0x86: {  	v0 =	vadd.f32 v3, v2;
	v2 =	vsel vm5, v1, v20;
	[tilespmem:s28+$0xC4A0] =	vst v11  }
0x87: {  	v3 =	vadd.f32 v7, v6;
	v6 =	vmul.f32 $1.140000000e-01, v4;
	v1 =	vsel vm5, v1, v5;
	[tilespmem:s28+$0xE0A0] =	vst v2  }
0x88: {  	v5 =	vmul.f32 $5.870000120e-01, v25;
	v2 =	vmul.f32 $2.989999950e-01, v10;
	[tilespmem:s28+$0xFCA0] =	vst v1;
	v7 =	vsel vm4, v0, v13  }
0x89: {  	v1 =	vadd.f32 v6, v3;
	v3 =	vsel vm4, v0, v31;
	[tilespmem:s28+$0xC4B0] =	vst v7  }
0x8a: {  	v0 =	vsel vm4, v0, v17;
	v2 =	vadd.f32 v5, v2;
	v5 =	vmul.f32 $1.140000000e-01, v21;
	[tilespmem:s28+$0xE0B0] =	vst v3  }
0x8b: {  	v6 =	vmul.f32 $5.870000120e-01, v9;
	v3 =	vmul.f32 $2.989999950e-01, v18;
	[tilespmem:s28+$0xFCB0] =	vst v0;
	v7 =	vsel vm3, v1, v19  }
0x8c: {  	v0 =	vadd.f32 v5, v2;
	v2 =	vsel vm3, v1, v8;
	[tilespmem:s28+$0xC4C0] =	vst v7  }
0x8d: {  	v3 =	vadd.f32 v6, v3;
	v5 =	vmul.f32 $1.140000000e-01, v16;
	v1 =	vsel vm3, v1, v4;
	[tilespmem:s28+$0xE0C0] =	vst v2  }
0x8e: {  	[tilespmem:s28+$0xFCC0] =	vst v1;
	v2 =	vsel vm2, v0, v10  }
0x8f: {  	v1 =	vadd.f32 v5, v3;
	v3 =	vsel vm2, v0, v25;
	[tilespmem:s28+$0xC4D0] =	vst v2  }
0x90: {  	v0 =	vsel vm2, v0, v21;
	[tilespmem:s28+$0xE0D0] =	vst v3  }
0x91: {  	[tilespmem:s28+$0xFCD0] =	vst v0;
	v2 =	vsel vm1, v1, v18  }
0x92: {  	v0 =	vsel vm1, v1, v9;
	[tilespmem:s28+$0xC4E0] =	vst v2  }
0x93: {  	s2 =	sshll.u32 s29, $0x4;
	v1 =	vsel vm1, v1, v16;
	[tilespmem:s28+$0xE0E0] =	vst v0  }
0x94: {  	p1 =	seq.s32 s25, $0xD;
	s2 =	sadd.s32 s4, s2;
	[tilespmem:s28+$0xFCE0] =	vst v1  }
0x95: {  	[hbm4b:s2+s14] =	stream.strided.scatter [tilespmem:s19], [sflag:$0x3], $0x5400, s15, s14, $0x38;
	[tilespmem:$0x15080] =	vst v63  }
0x96: {  	s2 =	sadd.s32 @!p1 s26, s9  }
0x97: {  	s29 =	simm.s32 @!p1 $0x620000;
	s2 =	sshll.u32 @!p1 s2, $0x4  }
0x98: {  	s30 =	simm.s32 @!p1 $0x80;
	s28 =	simm.s32 @!p1 $0x1C00;
	s2 =	sadd.s32 @!p1 s1, s2  }
0x99: {  	[tilespmem:s30], [sflag:$0x1] =	stream.strided.gather @!p1 [hbm4b:s2+s28], $0x5400, s29, s28, $0x38;
	[tilespmem:$0x15080] =	vst v63  }
0x9a: {  	_ =	swait.ge [sflag:s20], $0x5400  }
0x9b: {  	[sflag:s20] =	ssyncset.done $0x0  }
0x9c: {  	s2 =	simm.s32 @!p0 $0x4;
	[sflag:s20] =	ssyncadd.s32 $0xFFFFAC00  }
0x9d: {  	_ =	swait.ge @!p0 [sflag:s2], $0x5400  }
0x9e: {  	[sflag:s2] =	ssyncset.done @!p0 $0x0  }
0x9f: {  	s30 =	simm.s32 $0x0;
	[sflag:s2] =	ssyncadd.s32 @!p0 $0xFFFFAC00  }
0xa0: {  	v12 =	vld [tilespmem:s30+$0x54F0]  }
0xa1: {  	v15 =	vld [tilespmem:s30+$0x70F0]  }
0xa2: {  	v13 =	vld [tilespmem:s30+$0x5480]  }
0xa3: {  	v1 =	vld [tilespmem:s30+$0x8CF0]  }
0xa4: {  	v14 =	vld [tilespmem:s30+$0x7080]  }
0xa5: {  	v10 =	vld [tilespmem:s30+$0x5490]  }
0xa6: {  	v11 =	vld [tilespmem:s30+$0x7090]  }
0xa7: {  	v8 =	vld [tilespmem:s30+$0x54A0]  }
0xa8: {  	v6 =	vld [tilespmem:s30+$0x70A0]  }
0xa9: {  	v3 =	vld [tilespmem:s30+$0x54B0]  }
0xaa: {  	v9 =	vld [tilespmem:s30+$0x54C0];
	v0 =	vmul.f32 $2.989999950e-01, v12;
	v2 =	vmul.f32 $5.870000120e-01, v15  }
0xab: {  	v7 =	vld [tilespmem:s30+$0x70C0]  }
0xac: {  	v5 =	vld [tilespmem:s30+$0x54D0];
	v4 =	vmul.f32 $1.140000000e-01, v1;
	v2 =	vadd.f32 v2, v0  }
0xad: {  	v0 =	vld [tilespmem:s30+$0x70B0]  }
0xae: {  	v27 =	vld [tilespmem:s30+$0x8C80];
	v21 =	vadd.f32 v4, v2  }
0xaf: {  	v16 =	vmul.f32 $2.989999950e-01, v13;
	v17 =	vmul.f32 $5.870000120e-01, v14;
	v4 =	vld [tilespmem:s30+$0x70D0]  }
0xb0: {  	v18 =	vmul.f32 $2.989999950e-01, v10;
	v19 =	vmul.f32 $5.870000120e-01, v11;
	v2 =	vld [tilespmem:s30+$0x54E0];
	v1 =	vsel vm0, v21, v1  }
0xb1: {  	v22 =	vmul.f32 $2.989999950e-01, v8;
	v23 =	vmul.f32 $5.870000120e-01, v6;
	[tilespmem:s30+$0x134F0] =	vst v1;
	v1 =	vld [tilespmem:s30+$0x70E0]  }
0xb2: {  	v20 =	vld [tilespmem:s30+$0x8C90];
	v30 =	vadd.f32 v17, v16;
	v16 =	vmul.f32 $2.989999950e-01, v3;
	v17 =	vmul.f32 $5.870000120e-01, v0  }
0xb3: {  	v31 =	vmul.f32 $2.989999950e-01, v5;
	v26 =	vadd.f32 v19, v18;
	v25 =	vadd.f32 v23, v22;
	v19 =	vld [tilespmem:s30+$0x8CA0]  }
0xb4: {  	v22 =	vmul.f32 $2.989999950e-01, v9;
	v18 =	vld [tilespmem:s30+$0x8CB0];
	v24 =	vadd.f32 v17, v16;
	v16 =	vmul.f32 $5.870000120e-01, v7  }
0xb5: {  	v34 =	vmul.f32 $1.140000000e-01, v27;
	v28 =	vsel vm0, v21, v12;
	v12 =	vmul.f32 $5.870000120e-01, v4;
	v17 =	vld [tilespmem:s30+$0x8CC0]  }
0xb6: {  	v63 =	vmul.f32 $2.989999950e-01, v2;
	v23 =	vadd.f32 v16, v22;
	v16 =	vld [tilespmem:s30+$0x8CD0];
	v22 =	vmul.f32 $5.870000120e-01, v1  }
0xb7: {  	s28 =	simm.s32 $0x80;
	v32 =	vmul.f32 $1.140000000e-01, v20;
	v29 =	vsel vm0, v21, v15;
	v21 =	vadd.f32 v12, v31;
	v12 =	vld [tilespmem:s30+$0x8CE0]  }
0xb8: {  	s31 =	simm.s32 $0x400;
	s29 =	sadd.s32 s26, s10;
	v30 =	vadd.f32 v34, v30;
	v15 =	vld [tilespmem:s28+$0x54F0];
	v31 =	vmul.f32 $1.140000000e-01, v19;
	v22 =	vadd.f32 v22, v63  }
.LBB2_5:
0xb9: {  	p0 =	sne.s32 s31, $0x6E00;
	v33 =	vld [tilespmem:s28+$0x70F0];
	v26 =	vadd.f32 v32, v26;
	v32 =	vmul.f32 $1.140000000e-01, v18;
	[tilespmem:s30+$0xFCF0] =	vst v28  }
0xba: {  	v28 =	vsel vm7, v30, v13;
	v13 =	vld [tilespmem:s28+$0x5480];
	v25 =	vadd.f32 v31, v25;
	v31 =	vmul.f32 $1.140000000e-01, v17;
	[tilespmem:s30+$0x118F0] =	vst v29  }
0xbb: {  	v29 =	vld [tilespmem:s28+$0x8CF0];
	[tilespmem:s30+$0xFC80] =	vst v28;
	v28 =	vsel vm7, v30, v14;
	v24 =	vadd.f32 v32, v24;
	v32 =	vmul.f32 $1.140000000e-01, v16  }
0xbc: {  	v27 =	vsel vm7, v30, v27;
	v14 =	vld [tilespmem:s28+$0x7080];
	[tilespmem:s30+$0x11880] =	vst v28;
	v23 =	vadd.f32 v31, v23;
	v28 =	vmul.f32 $1.140000000e-01, v12  }
0xbd: {  	v30 =	vsel vm6, v26, v11;
	[tilespmem:s30+$0x13480] =	vst v27;
	v27 =	vsel vm6, v26, v10;
	v10 =	vld [tilespmem:s28+$0x5490];
	v21 =	vadd.f32 v32, v21  }
0xbe: {  	v31 =	vmul.f32 $2.989999950e-01, v15;
	v11 =	vld [tilespmem:s28+$0x7090];
	v32 =	vmul.f32 $5.870000120e-01, v33;
	[tilespmem:s30+$0xFC90] =	vst v27;
	v22 =	vadd.f32 v28, v22  }
0xbf: {  	v20 =	vsel vm6, v26, v20;
	v26 =	vsel vm5, v25, v8;
	v27 =	vmul.f32 $2.989999950e-01, v13;
	[tilespmem:s30+$0x11890] =	vst v30;
	v8 =	vld [tilespmem:s28+$0x54A0]  }
0xc0: {  	v28 =	vadd.f32 v32, v31;
	v30 =	vmul.f32 $1.140000000e-01, v29;
	[tilespmem:s30+$0x13490] =	vst v20;
	v20 =	vsel vm5, v25, v6;
	v6 =	vld [tilespmem:s28+$0x70A0]  }
0xc1: {  	v19 =	vsel vm5, v25, v19;
	v25 =	vsel vm4, v24, v3;
	v31 =	vmul.f32 $5.870000120e-01, v14;
	[tilespmem:s30+$0xFCA0] =	vst v26;
	v3 =	vld [tilespmem:s28+$0x54B0]  }
0xc2: {  	v26 =	vmul.f32 $2.989999950e-01, v10;
	v30 =	vadd.f32 v30, v28;
	[tilespmem:s30+$0x118A0] =	vst v20;
	v20 =	vsel vm4, v24, v0;
	v0 =	vld [tilespmem:s28+$0x70B0]  }
0xc3: {  	v18 =	vsel vm4, v24, v18;
	v31 =	vadd.f32 v31, v27;
	v27 =	vmul.f32 $5.870000120e-01, v11;
	v28 =	vld [tilespmem:s28+$0x54C0];
	[tilespmem:s30+$0x134A0] =	vst v19  }
0xc4: {  	v9 =	vsel vm3, v23, v9;
	v19 =	vmul.f32 $2.989999950e-01, v8;
	v32 =	vld [tilespmem:s28+$0x70C0];
	v24 =	vsel vm0, v30, v29;
	[tilespmem:s30+$0xFCB0] =	vst v25  }
0xc5: {  	v7 =	vsel vm3, v23, v7;
	v26 =	vadd.f32 v27, v26;
	v25 =	vmul.f32 $5.870000120e-01, v6;
	v29 =	vld [tilespmem:s28+$0x54D0];
	[tilespmem:s28+$0x134F0] =	vst v24  }
0xc6: {  	v17 =	vsel vm3, v23, v17;
	v35 =	vsel vm2, v21, v5;
	v24 =	vmul.f32 $2.989999950e-01, v3;
	v34 =	vld [tilespmem:s28+$0x70D0];
	[tilespmem:s30+$0x118B0] =	vst v20  }
0xc7: {  	v37 =	vsel vm2, v21, v4;
	v25 =	vadd.f32 v25, v19;
	v19 =	vmul.f32 $5.870000120e-01, v0;
	v36 =	vld [tilespmem:s28+$0x54E0];
	[tilespmem:s30+$0x134B0] =	vst v18  }
0xc8: {  	v16 =	vsel vm2, v21, v16;
	v39 =	vsel vm1, v22, v2;
	v18 =	vmul.f32 $2.989999950e-01, v28;
	v38 =	vld [tilespmem:s28+$0x70E0];
	[tilespmem:s30+$0xFCC0] =	vst v9;
	v9 =	vmovc v28  }
0xc9: {  	v40 =	vsel vm1, v22, v1;
	v27 =	vld [tilespmem:s28+$0x8C80];
	v24 =	vadd.f32 v19, v24;
	v21 =	vmul.f32 $5.870000120e-01, v32;
	[tilespmem:s30+$0x118C0] =	vst v7;
	v7 =	vmovc v32  }
0xca: {  	v41 =	vsel vm1, v22, v12;
	v28 =	vsel vm0, v30, v15;
	v20 =	vld [tilespmem:s28+$0x8C90];
	v32 =	vmul.f32 $2.989999950e-01, v29;
	[tilespmem:s30+$0x134C0] =	vst v17;
	v5 =	vmovc v29  }
0xcb: {  	v29 =	vsel vm0, v30, v33;
	v19 =	vld [tilespmem:s28+$0x8CA0];
	v23 =	vadd.f32 v21, v18;
	v12 =	vmul.f32 $5.870000120e-01, v34;
	[tilespmem:s30+$0xFCD0] =	vst v35;
	v4 =	vmovc v34  }
.Ltmp3:
0xcc: {  	v18 =	vld [tilespmem:s28+$0x8CB0];
	v15 =	vmul.f32 $2.989999950e-01, v36;
	[tilespmem:s30+$0x118D0] =	vst v37;
	v2 =	vmov v36;
	(pc) =	sbr.rel @p0 .LBB2_5-.Ltmp3, $4  }
0xcd: {  	v17 =	vld [tilespmem:s28+$0x8CC0];
	v21 =	vadd.f32 v12, v32;
	v22 =	vmul.f32 $5.870000120e-01, v38;
	[tilespmem:s30+$0x134D0] =	vst v16;
	v1 =	vmov v38  }
0xce: {  	v30 =	vmul.f32 $1.140000000e-01, v27;
	v16 =	vld [tilespmem:s28+$0x8CD0];
	[tilespmem:s30+$0xFCE0] =	vst v39  }
0xcf: {  	s2 =	sshra.s32 s31, $0x2;
	v32 =	vmul.f32 $1.140000000e-01, v20;
	v12 =	vld [tilespmem:s28+$0x8CE0];
	v22 =	vadd.f32 v22, v15;
	[tilespmem:s30+$0x118E0] =	vst v40  }
0xd0: {  	s31 =	sadd.s32 $0x200, s31;
	v15 =	vld [tilespmem:s2+$0x54F0];
	v30 =	vadd.f32 v30, v31;
	v31 =	vmul.f32 $1.140000000e-01, v19;
	[tilespmem:s30+$0x134E0] =	vst v41;
	s30 =	smov.u32 s28;
	s28 =	smov.u32 s2  }
0xd1: {  	v33 =	vld [tilespmem:s28+$0x70F0];
	[tilespmem:s30+$0xFCF0] =	vst v28  }
0xd2: {  	v28 =	vld [tilespmem:s28+$0x5480];
	[tilespmem:s30+$0x118F0] =	vst v29;
	v13 =	vsel vm7, v30, v13  }
0xd3: {  	v35 =	vadd.f32 v32, v26;
	v63 =	vsel vm7, v30, v14;
	v29 =	vld [tilespmem:s28+$0x8CF0];
	[tilespmem:s30+$0xFC80] =	vst v13  }
0xd4: {  	v36 =	vsel vm7, v30, v27;
	v34 =	vld [tilespmem:s28+$0x7080];
	[tilespmem:s30+$0x11880] =	vst v63  }
0xd5: {  	v39 =	vadd.f32 v31, v25;
	v10 =	vsel vm6, v35, v10;
	v37 =	vld [tilespmem:s28+$0x5490];
	[tilespmem:s30+$0x13480] =	vst v36  }
0xd6: {  	v38 =	vsel vm6, v35, v11;
	v41 =	vmul.f32 $2.989999950e-01, v15;
	v26 =	vld [tilespmem:s28+$0x7090];
	[tilespmem:s30+$0xFC90] =	vst v10;
	v42 =	vmul.f32 $5.870000120e-01, v33  }
0xd7: {  	v40 =	vmul.f32 $1.140000000e-01, v18;
	v13 =	vsel vm6, v35, v20;
	v11 =	vld [tilespmem:s28+$0x54A0];
	[tilespmem:s30+$0x11890] =	vst v38  }
0xd8: {  	v8 =	vsel vm5, v39, v8;
	v20 =	vld [tilespmem:s28+$0x70A0];
	[tilespmem:s30+$0x13490] =	vst v13;
	v43 =	vadd.f32 v42, v41;
	v44 =	vmul.f32 $1.140000000e-01, v29  }
0xd9: {  	v24 =	vadd.f32 v40, v24;
	v6 =	vsel vm5, v39, v6;
	v13 =	vld [tilespmem:s28+$0x54B0];
	[tilespmem:s30+$0xFCA0] =	vst v8  }
0xda: {  	v10 =	vsel vm5, v39, v19;
	v31 =	vld [tilespmem:s28+$0x70B0];
	[tilespmem:s30+$0x118A0] =	vst v6;
	v6 =	vadd.f32 v44, v43  }
0xdb: {  	v46 =	vmul.f32 $1.140000000e-01, v17;
	v3 =	vsel vm4, v24, v3;
	v19 =	vld [tilespmem:s28+$0x54C0];
	[tilespmem:s30+$0x134A0] =	vst v10  }
0xdc: {  	v8 =	vld [tilespmem:s28+$0x70C0];
	[tilespmem:s30+$0xFCB0] =	vst v3;
	v45 =	vsel vm0, v6, v29  }
0xdd: {  	v47 =	vadd.f32 v46, v23;
	v0 =	vsel vm4, v24, v0;
	v10 =	vld [tilespmem:s28+$0x54D0];
	[tilespmem:s28+$0x134F0] =	vst v45  }
0xde: {  	v50 =	vmul.f32 $1.140000000e-01, v16;
	v48 =	vsel vm4, v24, v18;
	v25 =	vld [tilespmem:s28+$0x70D0];
	[tilespmem:s30+$0x118B0] =	vst v0  }
0xdf: {  	v49 =	vsel vm3, v47, v9;
	v18 =	vld [tilespmem:s28+$0x54E0];
	[tilespmem:s30+$0x134B0] =	vst v48  }
0xe0: {  	v7 =	vsel vm3, v47, v7;
	v3 =	vadd.f32 v50, v21;
	v9 =	vld [tilespmem:s28+$0x70E0];
	[tilespmem:s30+$0xFCC0] =	vst v49  }
0xe1: {  	v54 =	vmul.f32 $1.140000000e-01, v12;
	v0 =	vsel vm3, v47, v17;
	v51 =	vld [tilespmem:s28+$0x8C80];
	[tilespmem:s30+$0x118C0] =	vst v7  }
0xe2: {  	v52 =	vsel vm2, v3, v5;
	v7 =	vld [tilespmem:s28+$0x8C90];
	[tilespmem:s30+$0x134C0] =	vst v0  }
0xe3: {  	v4 =	vsel vm2, v3, v4;
	v0 =	vadd.f32 v54, v22;
	v53 =	vld [tilespmem:s28+$0x8CA0];
	[tilespmem:s30+$0xFCD0] =	vst v52  }
0xe4: {  	v56 =	vmul.f32 $2.989999950e-01, v28;
	v57 =	vmul.f32 $5.870000120e-01, v34;
	v3 =	vsel vm2, v3, v16;
	v55 =	vld [tilespmem:s28+$0x8CB0];
	[tilespmem:s30+$0x118D0] =	vst v4  }
0xe5: {  	v2 =	vsel vm1, v0, v2;
	v4 =	vld [tilespmem:s28+$0x8CC0];
	[tilespmem:s30+$0x134D0] =	vst v3  }
0xe6: {  	v58 =	vadd.f32 v57, v56;
	v1 =	vsel vm1, v0, v1;
	v21 =	vld [tilespmem:s28+$0x8CD0];
	[tilespmem:s30+$0xFCE0] =	vst v2;
	v59 =	vmul.f32 $1.140000000e-01, v51  }
0xe7: {  	v60 =	vmul.f32 $2.989999950e-01, v37;
	v61 =	vmul.f32 $5.870000120e-01, v26;
	v0 =	vsel vm1, v0, v12;
	v16 =	vld [tilespmem:s28+$0x8CE0];
	[tilespmem:s30+$0x118E0] =	vst v1  }
0xe8: {  	v62 =	vsel vm0, v6, v15;
	[tilespmem:s30+$0x134E0] =	vst v0;
	v2 =	vadd.f32 v59, v58  }
0xe9: {  	v63 =	vadd.f32 v61, v60;
	v22 =	vsel vm0, v6, v33;
	v24 =	vmul.f32 $1.140000000e-01, v7;
	[tilespmem:s28+$0xFCF0] =	vst v62  }
0xea: {  	v35 =	vmul.f32 $2.989999950e-01, v13;
	v36 =	vmul.f32 $5.870000120e-01, v31;
	[tilespmem:s28+$0x118F0] =	vst v22;
	v32 =	vsel vm7, v2, v28  }
0xeb: {  	v0 =	vadd.f32 v24, v63;
	v33 =	vsel vm7, v2, v34;
	[tilespmem:s28+$0xFC80] =	vst v32  }
0xec: {  	v39 =	vadd.f32 v36, v35;
	v40 =	vmul.f32 $1.140000000e-01, v55;
	v2 =	vsel vm7, v2, v51;
	[tilespmem:s28+$0x11880] =	vst v33  }
0xed: {  	v29 =	vmul.f32 $2.989999950e-01, v11;
	v30 =	vmul.f32 $5.870000120e-01, v20;
	[tilespmem:s28+$0x13480] =	vst v2;
	v37 =	vsel vm6, v0, v37  }
0xee: {  	v38 =	vsel vm6, v0, v26;
	v43 =	vadd.f32 v40, v39;
	[tilespmem:s28+$0xFC90] =	vst v37  }
0xef: {  	v1 =	vadd.f32 v30, v29;
	v34 =	vmul.f32 $1.140000000e-01, v53;
	v0 =	vsel vm6, v0, v7;
	[tilespmem:s28+$0x11890] =	vst v38  }
0xf0: {  	v41 =	vmul.f32 $2.989999950e-01, v19;
	v42 =	vmul.f32 $5.870000120e-01, v8;
	[tilespmem:s28+$0x13490] =	vst v0;
	v49 =	vsel vm4, v43, v13  }
0xf1: {  	v1 =	vadd.f32 v34, v1;
	v51 =	vsel vm4, v43, v31;
	[tilespmem:s28+$0xFCB0] =	vst v49  }
0xf2: {  	v45 =	vadd.f32 v42, v41;
	v46 =	vmul.f32 $1.140000000e-01, v4;
	v0 =	vsel vm4, v43, v55;
	[tilespmem:s28+$0x118B0] =	vst v51  }
0xf3: {  	v47 =	vmul.f32 $2.989999950e-01, v10;
	v48 =	vmul.f32 $5.870000120e-01, v25;
	v11 =	vsel vm5, v1, v11;
	[tilespmem:s28+$0x134B0] =	vst v0  }
0xf4: {  	v50 =	vadd.f32 v46, v45;
	v44 =	vsel vm5, v1, v20;
	[tilespmem:s28+$0xFCA0] =	vst v11  }
0xf5: {  	v2 =	vadd.f32 v48, v47;
	v52 =	vmul.f32 $1.140000000e-01, v21;
	v1 =	vsel vm5, v1, v53;
	[tilespmem:s28+$0x118A0] =	vst v44  }
0xf6: {  	v54 =	vmul.f32 $5.870000120e-01, v9;
	v53 =	vmul.f32 $2.989999950e-01, v18;
	v55 =	vsel vm3, v50, v19;
	[tilespmem:s28+$0x134A0] =	vst v1  }
0xf7: {  	v56 =	vadd.f32 v52, v2;
	v57 =	vsel vm3, v50, v8;
	[tilespmem:s28+$0xFCC0] =	vst v55  }
0xf8: {  	v58 =	vmul.f32 $1.140000000e-01, v16;
	v1 =	vsel vm3, v50, v4;
	[tilespmem:s28+$0x118C0] =	vst v57;
	v3 =	vadd.f32 v54, v53  }
0xf9: {  	v59 =	vsel vm2, v56, v10;
	[tilespmem:s28+$0x134C0] =	vst v1  }
0xfa: {  	v61 =	vsel vm2, v56, v25;
	[tilespmem:s28+$0xFCD0] =	vst v59;
	v60 =	vadd.f32 v58, v3  }
0xfb: {  	v0 =	vsel vm2, v56, v21;
	[tilespmem:s28+$0x118D0] =	vst v61  }
.Ltmp4:
0xfc: {  	[tilespmem:s28+$0x134D0] =	vst v0;
	v62 =	vsel vm1, v60, v18;
	(pc) =	sbr.rel @p1 .LBB2_8-.Ltmp4, $4  }
0xfd: {  	v63 =	vsel vm1, v60, v9;
	[tilespmem:s28+$0xFCE0] =	vst v62  }
0xfe: {  	s2 =	sshll.u32 s29, $0x4;
	v1 =	vsel vm1, v60, v16;
	[tilespmem:s28+$0x118E0] =	vst v63  }
0xff: {  	s2 =	sadd.s32 s4, s2;
	[tilespmem:s28+$0x134E0] =	vst v1  }
0x100: {  	[hbm4b:s2+s14] =	stream.strided.scatter [tilespmem:s21], [sflag:$0x4], $0x5400, s15, s14, $0x38;
	[tilespmem:$0x15080] =	vst v63  }
.Ltmp5:
0x101: {  	(pc) =	sbr.rel .LBB2_2-.Ltmp5, $4  }
0x102: {  	s2 =	sadd.s32 s26, s11  }
0x103: {  	s2 =	sshll.u32 s2, $0x4  }
0x104: {  	s25 =	sadd.s32 $0x1, s25;
	s2 =	sadd.s32 s1, s2  }
0x105: {  	[tilespmem:s17], [sflag:$0x2] =	stream.strided.gather [hbm4b:s2+s14], $0x5400, s15, s14, $0x38;
	[tilespmem:$0x15080] =	vst v63  }
.LBB2_9:
0x106: {  	_ =	sfence.sel $0x180000  }
0x107: {  	[bflag:$0x0] =	sbarrier.arrive $0xFFFF  }
0x108: {  	_ =	strace $0x90000047  }
0x109: {  	[bflag:$0x2] =	sbarrier.arrive $0xFFFF  }
0x10a: {  	p0 =	sne.s32 s0, $0x0;
	s0 =	rddreg [dreg:$0x3]  }
0x10b: {  	s0 =	sadd.s32 @!p0 $0x100000, s0  }
0x10c: {  	[sflag:s0] =	ssyncadd.tile.s32 @!p0 $0x1;
	_ =	shalt  }
.Lfunc_end2:
_tile_overlayer_lowered:
.L_overlay_start_2:
0x10d: {  	(tag) =	ssettag $0x2  }
0x10e: {  	s0 =	rddreg [dreg:$0x0];
	s2 =	stileid.u32  }
0x10f: {  	s1 =	rddreg [dreg:$0x1];
	p0 =	sne.s32 s2, $0x0  }
0x110: {  	s3 =	rddreg [dreg:$0x2];
	[bflag:$0x3] =	sbarrier.arrive $0xFFFF;
	s2 =	simm.s32 @!p0 $0x1C05  }
0x111: {  	[timem:s3], [sflag:s2] =	dma.local @!p0 [hbm:s0], s1  }
0x112: {  	s0 =	simm.s32 @!p0 $0x5  }
0x113: {  	_ =	swait.ge @!p0 [sflag:s0], s1  }
0x114: {  	s1 =	ssub.s32 @!p0 $0x0, s1;
	[sflag:s0] =	ssyncset.done @!p0 $0x0  }
0x115: {  	[sflag:s0] =	ssyncadd.s32 @!p0 s1  }
0x116: {  	[bflag:$0x3] =	sbarrier.arrive $0xFFFF  }
0x117: {  	_ =	shalt  }

</sc_bundles>
